<compile_context>
chip_gen: v7x
topology: tpu7x:2x2x1
jax: 0.10.2.dev20260603
libtpu: 0.0.44.dev20260713+nightly
codegen_flags: <defaults>
</compile_context>

<pallas_src>
import functools

import jax
import jax.numpy as jnp
from jax import lax
from jax.experimental import pallas as pl
from jax.experimental.pallas import tpu as pltpu
from jax.experimental.pallas import tpu_sc as plsc

_NC = 2
_NS = 16
_NW = _NC * _NS
_NBUF = 4


def _make_sc_kernel(batch, hist, dim):
    assert dim == 64 and batch % (_NW * _NBUF) == 0 and hist % 8 == 0
    bpw = batch // _NW
    ch0 = min(hist, 128)
    ch1 = hist - ch0
    thresh = jnp.uint32(hist // 2)
    mesh = plsc.VectorSubcoreMesh(core_axis_name="c", subcore_axis_name="s")

    @functools.partial(
        pl.kernel,
        out_type=jax.ShapeDtypeStruct((batch, dim), jnp.float32),
        mesh=mesh,
        scratch_types=[
            pltpu.VMEM((bpw, hist), jnp.int32),
            pltpu.VMEM((_NBUF, hist, 64), jnp.uint8),
            pltpu.VMEM((bpw, dim), jnp.float32),
            [pltpu.SemaphoreType.DMA] * _NBUF,
        ],
        compiler_params=pltpu.CompilerParams(
            use_tc_tiling_on_sc=False, needs_layout_passes=False),
    )
    def sc_kernel(idx_hbm, packed_hbm, out_hbm, idx_v, buf_v, out_v, sems):
        wid = lax.axis_index("s") * _NC + lax.axis_index("c")
        pltpu.sync_copy(idx_hbm.at[pl.ds(wid * bpw, bpw)], idx_v)

        def issue(b, s):
            pltpu.async_copy(
                packed_hbm.at[idx_v.at[b, pl.ds(0, ch0)]],
                buf_v.at[s, pl.ds(0, ch0)], sems[s])
            pltpu.async_copy(
                packed_hbm.at[idx_v.at[b, pl.ds(ch0, ch1)]],
                buf_v.at[s, pl.ds(ch0, ch1)], sems[s])

        def wait(b, s):
            pltpu.make_async_copy(
                packed_hbm.at[idx_v.at[b, pl.ds(0, ch0)]],
                buf_v.at[s, pl.ds(0, ch0)], sems[s]).wait()
            pltpu.make_async_copy(
                packed_hbm.at[idx_v.at[b, pl.ds(ch0, ch1)]],
                buf_v.at[s, pl.ds(ch0, ch1)], sems[s]).wait()

        def process(b, s):
            zero = jnp.zeros((16,), jnp.uint32)
            u = 8

            def red(j, acc):
                out = []
                for i in range(u):
                    r = plsc.bitcast(buf_v[s, j * u + i, :], jnp.uint32)
                    out.append(acc[i] + r)
                return tuple(out)

            accs = lax.fori_loop(0, hist // u, red, (zero,) * u)
            a = accs[0]
            for t in accs[1:]:
                a = a + t

            m = jnp.uint32(0xFF)
            lane4 = 4 * lax.iota(jnp.int32, 16)
            b_vec = jnp.full((16,), b, jnp.int32)
            one = jnp.float32(1.0)
            neg = jnp.float32(-1.0)
            for j in range(4):
                c = (a >> (8 * j)) & m
                plsc.store_scatter(
                    out_v, [b_vec, lane4 + j], jnp.where(c > thresh, one, neg))

        for s in range(_NBUF):
            issue(s, s)

        def outer(i, _):
            b0 = i * _NBUF
            for s in range(_NBUF):
                b = b0 + s
                wait(b, s)
                process(b, s)
                nb = b + _NBUF

                @pl.when(nb < bpw)
                def _():
                    issue(nb, s)
            return 0

        lax.fori_loop(0, bpw // _NBUF, outer, 0)
        pltpu.sync_copy(out_v, out_hbm.at[pl.ds(wid * bpw, bpw)])

    return sc_kernel


def kernel(x, table):
    batch, hist = x.shape
    size, dim = table.shape
    bits = (table > 0).astype(jnp.uint8)
    idx = x.astype(jnp.int32)
    sc = _make_sc_kernel(batch, hist, dim)
    return sc(idx, bits)

# --- scband reference (transcript-rebuilt; emitter-appended) ---
"""Pipeline reference for scband-encoder-33681133535829 (READ-ONLY COPY).

The authoritative reference and input builder live on the scoring server;
editing this copy changes nothing except your own understanding.
"""

import jax, jax.numpy as jnp
import numpy as np

SIZE = 100000
DIM = 64
BATCH = 4096
HIST = 200

def setup_inputs(seed: int = 0) -> dict:
    key = jax.random.key(seed)
    k_x, k_tab = jax.random.split(key)
    x = jax.random.randint(k_x, (BATCH, HIST), 0, SIZE, dtype=jnp.int64)
    # torchhd embeddings.Random: random bipolar (+1/-1) hypervectors of shape [size, dimensions]
    table = jnp.where(jax.random.uniform(k_tab, (SIZE, DIM)) > 0.5, 1.0, -1.0).astype(jnp.float32)
    return {"x": x, "table": table}

def reference(x, table):
    # forward with method='bundle':
    #   x = flatten(x).float()            -> already [B, L], identity here
    #   hv = self.symbol(x.long())        -> embedding gather: [B, L, D]
    #   sample_hv = torchhd.multiset(hv)  -> sum over the sequence dim: [B, D]
    #   return torchhd.hard_quantize(...) -> where(v > 0, 1, -1)
    idx = x.astype(jnp.int32)
    emb = jnp.take(table, idx, axis=0)          # [B, L, D] gather
    sample_hv = jnp.sum(emb, axis=-2)           # multiset bundle: [B, D]
    out = jnp.where(sample_hv > 0, 1.0, -1.0).astype(jnp.float32)
    return out

if __name__ == "__main__":
    import jax
    _d = setup_inputs()
    print(jax.jit(kernel)(*tuple(_d.values())))

</pallas_src>

<mosaic_0001>
#map = affine_map<(d0, d1) -> (0, 0)>
#map1 = affine_map<(d0, d1) -> (0)>
module attributes {stable_mosaic.version = 14 : i64} {
  func.func @_rewritten_body(%arg0: i32, %arg1: i32, %arg2: memref<4096x200xi32, #tpu.memory_space<hbm>>, %arg3: memref<100000x64xi8, #tpu.memory_space<hbm>>, %arg4: memref<1xi32, #tpu.memory_space<hbm>>, %arg5: memref<4096x64xf32, #tpu.memory_space<hbm>>, %arg6: memref<128x200xi32, #tpu.memory_space<vmem>>, %arg7: memref<4x200x64xi8, #tpu.memory_space<vmem>>, %arg8: memref<128x64xf32, #tpu.memory_space<vmem>>, %arg9: memref<!tpu.dma_semaphore, #tpu.memory_space<semaphore_mem>>, %arg10: memref<!tpu.dma_semaphore, #tpu.memory_space<semaphore_mem>>, %arg11: memref<!tpu.dma_semaphore, #tpu.memory_space<semaphore_mem>>, %arg12: memref<!tpu.dma_semaphore, #tpu.memory_space<semaphore_mem>>) attributes {dimension_semantics = [#tpu.dimension_semantics<core_parallel>, #tpu.dimension_semantics<subcore_parallel>], iteration_bounds = array<i64: 2, 16>, scalar_prefetch = 0 : i64, scratch_operands = 7 : i64, tpu.core_type = #tpu.core_type<sc_vector_subcore>, window_params = [{transform_indices = #map}, {transform_indices = #map}, {transform_indices = #map1}, {transform_indices = #map}]} {
    %empty_ref3A = memref.alloca() : memref<16xi32, #tpu.memory_space<vmem>>
    "tpu.region"() ({
      %run_scoped3A = tpu.sem_alloc : memref<!tpu.dma_semaphore, #tpu.memory_space<semaphore_mem>>
      %dma_start3A_107 = arith.constant 0 : i32
      %dma_start3A_108 = tpu.memref_slice %empty_ref3A[%dma_start3A_107] : memref<16xi32, #tpu.memory_space<vmem>> -> memref<1xi32, #tpu.memory_space<vmem>>
      %dma_start3A_109 = arith.constant 0 : i32
      %dma_start3A_110 = tpu.memref_slice %empty_ref3A[%dma_start3A_109] : memref<16xi32, #tpu.memory_space<vmem>> -> memref<1xi32, #tpu.memory_space<vmem>>
      tpu.enqueue_dma source(%arg4 : memref<1xi32, #tpu.memory_space<hbm>>) target(%dma_start3A_110 : memref<1xi32, #tpu.memory_space<vmem>>) target_semaphore(%run_scoped3A : memref<!tpu.dma_semaphore, #tpu.memory_space<semaphore_mem>>)
      %dma_wait3A = arith.constant 0 : i32
      %dma_wait3A_111 = tpu.memref_slice %empty_ref3A[%dma_wait3A] : memref<16xi32, #tpu.memory_space<vmem>> -> memref<1xi32, #tpu.memory_space<vmem>>
      %dma_wait3A_112 = arith.constant 0 : i32
      %dma_wait3A_113 = tpu.memref_slice %empty_ref3A[%dma_wait3A_112] : memref<16xi32, #tpu.memory_space<vmem>> -> memref<1xi32, #tpu.memory_space<vmem>>
      tpu.wait_dma2 semaphore(%run_scoped3A : memref<!tpu.dma_semaphore, #tpu.memory_space<semaphore_mem>>) src(%arg4 : memref<1xi32, #tpu.memory_space<hbm>>) dst(%dma_wait3A_113 : memref<1xi32, #tpu.memory_space<vmem>>)
      tpu.yield
    }) : () -> ()
    %get3A = arith.constant 0 : index
    %get3A_0 = tpu.vector_load %empty_ref3A[%get3A] {strides = array<i32>} : memref<16xi32, #tpu.memory_space<vmem>>, vector<16xi32>,
    %slice3A = vector.extract_strided_slice %get3A_0 {offsets = [0], sizes = [1], strides = [1]} : vector<16xi32> to vector<1xi32>
    %squeeze3A = vector.extract %slice3A[0] : i32 from vector<1xi32>
    %mul3A = arith.constant 2 : i32
    %mul3A_1 = arith.muli %arg1, %mul3A : i32
    %add3A = arith.addi %mul3A_1, %arg0 : i32
    %mul3A_2 = arith.constant 128 : i32
    %mul3A_3 = arith.muli %add3A, %mul3A_2 : i32
    "tpu.region"() ({
      %run_scoped3A = tpu.sem_alloc : memref<!tpu.dma_semaphore, #tpu.memory_space<semaphore_mem>>
      %dma_start3A_107 = arith.constant 0 : i32
      %dma_start3A_108 = tpu.memref_slice %arg2[%mul3A_3, %dma_start3A_107] : memref<4096x200xi32, #tpu.memory_space<hbm>> -> memref<128x200xi32, #tpu.memory_space<hbm>>
      %dma_start3A_109 = arith.constant 0 : i32
      %dma_start3A_110 = tpu.memref_slice %arg2[%mul3A_3, %dma_start3A_109] : memref<4096x200xi32, #tpu.memory_space<hbm>> -> memref<128x200xi32, #tpu.memory_space<hbm>>
      tpu.enqueue_dma source(%dma_start3A_110 : memref<128x200xi32, #tpu.memory_space<hbm>>) target(%arg6 : memref<128x200xi32, #tpu.memory_space<vmem>>) target_semaphore(%run_scoped3A : memref<!tpu.dma_semaphore, #tpu.memory_space<semaphore_mem>>)
      %dma_wait3A = arith.constant 0 : i32
      %dma_wait3A_111 = tpu.memref_slice %arg2[%mul3A_3, %dma_wait3A] : memref<4096x200xi32, #tpu.memory_space<hbm>> -> memref<128x200xi32, #tpu.memory_space<hbm>>
      %dma_wait3A_112 = arith.constant 0 : i32
      %dma_wait3A_113 = tpu.memref_slice %arg2[%mul3A_3, %dma_wait3A_112] : memref<4096x200xi32, #tpu.memory_space<hbm>> -> memref<128x200xi32, #tpu.memory_space<hbm>>
      tpu.wait_dma2 semaphore(%run_scoped3A : memref<!tpu.dma_semaphore, #tpu.memory_space<semaphore_mem>>) src(%dma_wait3A_113 : memref<128x200xi32, #tpu.memory_space<hbm>>) dst(%arg6 : memref<128x200xi32, #tpu.memory_space<vmem>>)
      tpu.yield
    }) : () -> ()
    %dma_start3A = arith.constant 0 : i32
    %dma_start3A_4 = arith.constant 0 : i32
    %dma_start3A_5 = arith.constant 0 : i32
    %dma_start3A_6 = arith.constant 0 : i32
    %dma_start3A_7 = tpu.memref_slice %arg7[%dma_start3A_4, %dma_start3A_5, %dma_start3A_6] : memref<4x200x64xi8, #tpu.memory_space<vmem>> -> memref<1x128x64xi8, #tpu.memory_space<vmem>>
    %dma_start3A_8 = tpu.memref_squeeze %dma_start3A_7 : memref<1x128x64xi8, #tpu.memory_space<vmem>> -> memref<128x64xi8, #tpu.memory_space<vmem>>
    %dma_start3A_9 = arith.constant 0 : i32
    %dma_start3A_10 = tpu.memref_slice %arg6[%dma_start3A, %dma_start3A_9] : memref<128x200xi32, #tpu.memory_space<vmem>> -> memref<1x128xi32, #tpu.memory_space<vmem>>
    %dma_start3A_11 = tpu.memref_squeeze %dma_start3A_10 : memref<1x128xi32, #tpu.memory_space<vmem>> -> memref<128xi32, #tpu.memory_space<vmem>>
    %dma_start3A_12 = arith.constant 0 : i32
    %dma_start3A_13 = arith.constant 0 : i32
    %dma_start3A_14 = tpu.memref_slice %arg3[%dma_start3A_12, %dma_start3A_13] : memref<100000x64xi8, #tpu.memory_space<hbm>> -> memref<100000x64xi8, #tpu.memory_space<hbm>>
    tpu.enqueue_indirect_dma source(%dma_start3A_14 : memref<100000x64xi8, #tpu.memory_space<hbm>>) target(%dma_start3A_8 : memref<128x64xi8, #tpu.memory_space<vmem>>) offsets(%dma_start3A_11 : memref<128xi32, #tpu.memory_space<vmem>>) semaphore(%arg9 : memref<!tpu.dma_semaphore, #tpu.memory_space<semaphore_mem>>)
    %dma_start3A_15 = arith.constant 0 : i32
    %dma_start3A_16 = arith.constant 0 : i32
    %dma_start3A_17 = arith.constant 128 : i32
    %dma_start3A_18 = arith.constant 0 : i32
    %dma_start3A_19 = tpu.memref_slice %arg7[%dma_start3A_16, %dma_start3A_17, %dma_start3A_18] : memref<4x200x64xi8, #tpu.memory_space<vmem>> -> memref<1x72x64xi8, #tpu.memory_space<vmem>>
    %dma_start3A_20 = tpu.memref_squeeze %dma_start3A_19 : memref<1x72x64xi8, #tpu.memory_space<vmem>> -> memref<72x64xi8, #tpu.memory_space<vmem>>
    %dma_start3A_21 = arith.constant 128 : i32
    %dma_start3A_22 = tpu.memref_slice %arg6[%dma_start3A_15, %dma_start3A_21] : memref<128x200xi32, #tpu.memory_space<vmem>> -> memref<1x72xi32, #tpu.memory_space<vmem>>
    %dma_start3A_23 = tpu.memref_squeeze %dma_start3A_22 : memref<1x72xi32, #tpu.memory_space<vmem>> -> memref<72xi32, #tpu.memory_space<vmem>>
    %dma_start3A_24 = arith.constant 0 : i32
    %dma_start3A_25 = arith.constant 0 : i32
    %dma_start3A_26 = tpu.memref_slice %arg3[%dma_start3A_24, %dma_start3A_25] : memref<100000x64xi8, #tpu.memory_space<hbm>> -> memref<100000x64xi8, #tpu.memory_space<hbm>>
    tpu.enqueue_indirect_dma source(%dma_start3A_26 : memref<100000x64xi8, #tpu.memory_space<hbm>>) target(%dma_start3A_20 : memref<72x64xi8, #tpu.memory_space<vmem>>) offsets(%dma_start3A_23 : memref<72xi32, #tpu.memory_space<vmem>>) semaphore(%arg9 : memref<!tpu.dma_semaphore, #tpu.memory_space<semaphore_mem>>)
    %dma_start3A_27 = arith.constant 1 : i32
    %dma_start3A_28 = arith.constant 1 : i32
    %dma_start3A_29 = arith.constant 0 : i32
    %dma_start3A_30 = arith.constant 0 : i32
    %dma_start3A_31 = tpu.memref_slice %arg7[%dma_start3A_28, %dma_start3A_29, %dma_start3A_30] : memref<4x200x64xi8, #tpu.memory_space<vmem>> -> memref<1x128x64xi8, #tpu.memory_space<vmem>>
    %dma_start3A_32 = tpu.memref_squeeze %dma_start3A_31 : memref<1x128x64xi8, #tpu.memory_space<vmem>> -> memref<128x64xi8, #tpu.memory_space<vmem>>
    %dma_start3A_33 = arith.constant 0 : i32
    %dma_start3A_34 = tpu.memref_slice %arg6[%dma_start3A_27, %dma_start3A_33] : memref<128x200xi32, #tpu.memory_space<vmem>> -> memref<1x128xi32, #tpu.memory_space<vmem>>
    %dma_start3A_35 = tpu.memref_squeeze %dma_start3A_34 : memref<1x128xi32, #tpu.memory_space<vmem>> -> memref<128xi32, #tpu.memory_space<vmem>>
    %dma_start3A_36 = arith.constant 0 : i32
    %dma_start3A_37 = arith.constant 0 : i32
    %dma_start3A_38 = tpu.memref_slice %arg3[%dma_start3A_36, %dma_start3A_37] : memref<100000x64xi8, #tpu.memory_space<hbm>> -> memref<100000x64xi8, #tpu.memory_space<hbm>>
    tpu.enqueue_indirect_dma source(%dma_start3A_38 : memref<100000x64xi8, #tpu.memory_space<hbm>>) target(%dma_start3A_32 : memref<128x64xi8, #tpu.memory_space<vmem>>) offsets(%dma_start3A_35 : memref<128xi32, #tpu.memory_space<vmem>>) semaphore(%arg10 : memref<!tpu.dma_semaphore, #tpu.memory_space<semaphore_mem>>)
    %dma_start3A_39 = arith.constant 1 : i32
    %dma_start3A_40 = arith.constant 1 : i32
    %dma_start3A_41 = arith.constant 128 : i32
    %dma_start3A_42 = arith.constant 0 : i32
    %dma_start3A_43 = tpu.memref_slice %arg7[%dma_start3A_40, %dma_start3A_41, %dma_start3A_42] : memref<4x200x64xi8, #tpu.memory_space<vmem>> -> memref<1x72x64xi8, #tpu.memory_space<vmem>>
    %dma_start3A_44 = tpu.memref_squeeze %dma_start3A_43 : memref<1x72x64xi8, #tpu.memory_space<vmem>> -> memref<72x64xi8, #tpu.memory_space<vmem>>
    %dma_start3A_45 = arith.constant 128 : i32
    %dma_start3A_46 = tpu.memref_slice %arg6[%dma_start3A_39, %dma_start3A_45] : memref<128x200xi32, #tpu.memory_space<vmem>> -> memref<1x72xi32, #tpu.memory_space<vmem>>
    %dma_start3A_47 = tpu.memref_squeeze %dma_start3A_46 : memref<1x72xi32, #tpu.memory_space<vmem>> -> memref<72xi32, #tpu.memory_space<vmem>>
    %dma_start3A_48 = arith.constant 0 : i32
    %dma_start3A_49 = arith.constant 0 : i32
    %dma_start3A_50 = tpu.memref_slice %arg3[%dma_start3A_48, %dma_start3A_49] : memref<100000x64xi8, #tpu.memory_space<hbm>> -> memref<100000x64xi8, #tpu.memory_space<hbm>>
    tpu.enqueue_indirect_dma source(%dma_start3A_50 : memref<100000x64xi8, #tpu.memory_space<hbm>>) target(%dma_start3A_44 : memref<72x64xi8, #tpu.memory_space<vmem>>) offsets(%dma_start3A_47 : memref<72xi32, #tpu.memory_space<vmem>>) semaphore(%arg10 : memref<!tpu.dma_semaphore, #tpu.memory_space<semaphore_mem>>)
    %dma_start3A_51 = arith.constant 2 : i32
    %dma_start3A_52 = arith.constant 2 : i32
    %dma_start3A_53 = arith.constant 0 : i32
    %dma_start3A_54 = arith.constant 0 : i32
    %dma_start3A_55 = tpu.memref_slice %arg7[%dma_start3A_52, %dma_start3A_53, %dma_start3A_54] : memref<4x200x64xi8, #tpu.memory_space<vmem>> -> memref<1x128x64xi8, #tpu.memory_space<vmem>>
    %dma_start3A_56 = tpu.memref_squeeze %dma_start3A_55 : memref<1x128x64xi8, #tpu.memory_space<vmem>> -> memref<128x64xi8, #tpu.memory_space<vmem>>
    %dma_start3A_57 = arith.constant 0 : i32
    %dma_start3A_58 = tpu.memref_slice %arg6[%dma_start3A_51, %dma_start3A_57] : memref<128x200xi32, #tpu.memory_space<vmem>> -> memref<1x128xi32, #tpu.memory_space<vmem>>
    %dma_start3A_59 = tpu.memref_squeeze %dma_start3A_58 : memref<1x128xi32, #tpu.memory_space<vmem>> -> memref<128xi32, #tpu.memory_space<vmem>>
    %dma_start3A_60 = arith.constant 0 : i32
    %dma_start3A_61 = arith.constant 0 : i32
    %dma_start3A_62 = tpu.memref_slice %arg3[%dma_start3A_60, %dma_start3A_61] : memref<100000x64xi8, #tpu.memory_space<hbm>> -> memref<100000x64xi8, #tpu.memory_space<hbm>>
    tpu.enqueue_indirect_dma source(%dma_start3A_62 : memref<100000x64xi8, #tpu.memory_space<hbm>>) target(%dma_start3A_56 : memref<128x64xi8, #tpu.memory_space<vmem>>) offsets(%dma_start3A_59 : memref<128xi32, #tpu.memory_space<vmem>>) semaphore(%arg11 : memref<!tpu.dma_semaphore, #tpu.memory_space<semaphore_mem>>)
    %dma_start3A_63 = arith.constant 2 : i32
    %dma_start3A_64 = arith.constant 2 : i32
    %dma_start3A_65 = arith.constant 128 : i32
    %dma_start3A_66 = arith.constant 0 : i32
    %dma_start3A_67 = tpu.memref_slice %arg7[%dma_start3A_64, %dma_start3A_65, %dma_start3A_66] : memref<4x200x64xi8, #tpu.memory_space<vmem>> -> memref<1x72x64xi8, #tpu.memory_space<vmem>>
    %dma_start3A_68 = tpu.memref_squeeze %dma_start3A_67 : memref<1x72x64xi8, #tpu.memory_space<vmem>> -> memref<72x64xi8, #tpu.memory_space<vmem>>
    %dma_start3A_69 = arith.constant 128 : i32
    %dma_start3A_70 = tpu.memref_slice %arg6[%dma_start3A_63, %dma_start3A_69] : memref<128x200xi32, #tpu.memory_space<vmem>> -> memref<1x72xi32, #tpu.memory_space<vmem>>
    %dma_start3A_71 = tpu.memref_squeeze %dma_start3A_70 : memref<1x72xi32, #tpu.memory_space<vmem>> -> memref<72xi32, #tpu.memory_space<vmem>>
    %dma_start3A_72 = arith.constant 0 : i32
    %dma_start3A_73 = arith.constant 0 : i32
    %dma_start3A_74 = tpu.memref_slice %arg3[%dma_start3A_72, %dma_start3A_73] : memref<100000x64xi8, #tpu.memory_space<hbm>> -> memref<100000x64xi8, #tpu.memory_space<hbm>>
    tpu.enqueue_indirect_dma source(%dma_start3A_74 : memref<100000x64xi8, #tpu.memory_space<hbm>>) target(%dma_start3A_68 : memref<72x64xi8, #tpu.memory_space<vmem>>) offsets(%dma_start3A_71 : memref<72xi32, #tpu.memory_space<vmem>>) semaphore(%arg11 : memref<!tpu.dma_semaphore, #tpu.memory_space<semaphore_mem>>)
    %dma_start3A_75 = arith.constant 3 : i32
    %dma_start3A_76 = arith.constant 3 : i32
    %dma_start3A_77 = arith.constant 0 : i32
    %dma_start3A_78 = arith.constant 0 : i32
    %dma_start3A_79 = tpu.memref_slice %arg7[%dma_start3A_76, %dma_start3A_77, %dma_start3A_78] : memref<4x200x64xi8, #tpu.memory_space<vmem>> -> memref<1x128x64xi8, #tpu.memory_space<vmem>>
    %dma_start3A_80 = tpu.memref_squeeze %dma_start3A_79 : memref<1x128x64xi8, #tpu.memory_space<vmem>> -> memref<128x64xi8, #tpu.memory_space<vmem>>
    %dma_start3A_81 = arith.constant 0 : i32
    %dma_start3A_82 = tpu.memref_slice %arg6[%dma_start3A_75, %dma_start3A_81] : memref<128x200xi32, #tpu.memory_space<vmem>> -> memref<1x128xi32, #tpu.memory_space<vmem>>
    %dma_start3A_83 = tpu.memref_squeeze %dma_start3A_82 : memref<1x128xi32, #tpu.memory_space<vmem>> -> memref<128xi32, #tpu.memory_space<vmem>>
    %dma_start3A_84 = arith.constant 0 : i32
    %dma_start3A_85 = arith.constant 0 : i32
    %dma_start3A_86 = tpu.memref_slice %arg3[%dma_start3A_84, %dma_start3A_85] : memref<100000x64xi8, #tpu.memory_space<hbm>> -> memref<100000x64xi8, #tpu.memory_space<hbm>>
    tpu.enqueue_indirect_dma source(%dma_start3A_86 : memref<100000x64xi8, #tpu.memory_space<hbm>>) target(%dma_start3A_80 : memref<128x64xi8, #tpu.memory_space<vmem>>) offsets(%dma_start3A_83 : memref<128xi32, #tpu.memory_space<vmem>>) semaphore(%arg12 : memref<!tpu.dma_semaphore, #tpu.memory_space<semaphore_mem>>)
    %dma_start3A_87 = arith.constant 3 : i32
    %dma_start3A_88 = arith.constant 3 : i32
    %dma_start3A_89 = arith.constant 128 : i32
    %dma_start3A_90 = arith.constant 0 : i32
    %dma_start3A_91 = tpu.memref_slice %arg7[%dma_start3A_88, %dma_start3A_89, %dma_start3A_90] : memref<4x200x64xi8, #tpu.memory_space<vmem>> -> memref<1x72x64xi8, #tpu.memory_space<vmem>>
    %dma_start3A_92 = tpu.memref_squeeze %dma_start3A_91 : memref<1x72x64xi8, #tpu.memory_space<vmem>> -> memref<72x64xi8, #tpu.memory_space<vmem>>
    %dma_start3A_93 = arith.constant 128 : i32
    %dma_start3A_94 = tpu.memref_slice %arg6[%dma_start3A_87, %dma_start3A_93] : memref<128x200xi32, #tpu.memory_space<vmem>> -> memref<1x72xi32, #tpu.memory_space<vmem>>
    %dma_start3A_95 = tpu.memref_squeeze %dma_start3A_94 : memref<1x72xi32, #tpu.memory_space<vmem>> -> memref<72xi32, #tpu.memory_space<vmem>>
    %dma_start3A_96 = arith.constant 0 : i32
    %dma_start3A_97 = arith.constant 0 : i32
    %dma_start3A_98 = tpu.memref_slice %arg3[%dma_start3A_96, %dma_start3A_97] : memref<100000x64xi8, #tpu.memory_space<hbm>> -> memref<100000x64xi8, #tpu.memory_space<hbm>>
    tpu.enqueue_indirect_dma source(%dma_start3A_98 : memref<100000x64xi8, #tpu.memory_space<hbm>>) target(%dma_start3A_92 : memref<72x64xi8, #tpu.memory_space<vmem>>) offsets(%dma_start3A_95 : memref<72xi32, #tpu.memory_space<vmem>>) semaphore(%arg12 : memref<!tpu.dma_semaphore, #tpu.memory_space<semaphore_mem>>)
    %scan3A = arith.constant 0 : i32
    %scan3A_99 = arith.constant 0 : i32
    %scan3A_100 = arith.constant 32 : i32
    %scan3A_101 = arith.addi %scan3A_99, %scan3A_100 : i32
    %scan3A_102 = arith.constant 1 : i32
    %scan3A_103 = scf.for %scan3A_107 = %scan3A_99 to %scan3A_101 step %scan3A_102 iter_args(%scan3A_108 = %scan3A) -> (i32)  : i32 {
      %mul3A_109 = arith.constant 4 : i32
      %mul3A_110 = arith.muli %scan3A_107, %mul3A_109 : i32
      %add3A_111 = arith.constant 0 : i32
      %add3A_112 = arith.addi %mul3A_110, %add3A_111 : i32
      %dma_wait3A = arith.constant 0 : i32
      %dma_wait3A_113 = arith.constant 0 : i32
      %dma_wait3A_114 = arith.constant 0 : i32
      %dma_wait3A_115 = tpu.memref_slice %arg7[%dma_wait3A, %dma_wait3A_113, %dma_wait3A_114] : memref<4x200x64xi8, #tpu.memory_space<vmem>> -> memref<1x128x64xi8, #tpu.memory_space<vmem>>
      %dma_wait3A_116 = tpu.memref_squeeze %dma_wait3A_115 : memref<1x128x64xi8, #tpu.memory_space<vmem>> -> memref<128x64xi8, #tpu.memory_space<vmem>>
      %dma_wait3A_117 = arith.constant 0 : i32
      %dma_wait3A_118 = tpu.memref_slice %arg6[%add3A_112, %dma_wait3A_117] : memref<128x200xi32, #tpu.memory_space<vmem>> -> memref<1x128xi32, #tpu.memory_space<vmem>>
      %dma_wait3A_119 = tpu.memref_squeeze %dma_wait3A_118 : memref<1x128xi32, #tpu.memory_space<vmem>> -> memref<128xi32, #tpu.memory_space<vmem>>
      %dma_wait3A_120 = arith.constant 0 : i32
      %dma_wait3A_121 = arith.constant 0 : i32
      %dma_wait3A_122 = tpu.memref_slice %arg3[%dma_wait3A_120, %dma_wait3A_121] : memref<100000x64xi8, #tpu.memory_space<hbm>> -> memref<100000x64xi8, #tpu.memory_space<hbm>>
      tpu.wait_indirect_dma semaphore(%arg9 : memref<!tpu.dma_semaphore, #tpu.memory_space<semaphore_mem>>) src(%dma_wait3A_122 : memref<100000x64xi8, #tpu.memory_space<hbm>>) dst(%dma_wait3A_116 : memref<128x64xi8, #tpu.memory_space<vmem>>)
      %dma_wait3A_123 = arith.constant 0 : i32
      %dma_wait3A_124 = arith.constant 128 : i32
      %dma_wait3A_125 = arith.constant 0 : i32
      %dma_wait3A_126 = tpu.memref_slice %arg7[%dma_wait3A_123, %dma_wait3A_124, %dma_wait3A_125] : memref<4x200x64xi8, #tpu.memory_space<vmem>> -> memref<1x72x64xi8, #tpu.memory_space<vmem>>
      %dma_wait3A_127 = tpu.memref_squeeze %dma_wait3A_126 : memref<1x72x64xi8, #tpu.memory_space<vmem>> -> memref<72x64xi8, #tpu.memory_space<vmem>>
      %dma_wait3A_128 = arith.constant 128 : i32
      %dma_wait3A_129 = tpu.memref_slice %arg6[%add3A_112, %dma_wait3A_128] : memref<128x200xi32, #tpu.memory_space<vmem>> -> memref<1x72xi32, #tpu.memory_space<vmem>>
      %dma_wait3A_130 = tpu.memref_squeeze %dma_wait3A_129 : memref<1x72xi32, #tpu.memory_space<vmem>> -> memref<72xi32, #tpu.memory_space<vmem>>
      %dma_wait3A_131 = arith.constant 0 : i32
      %dma_wait3A_132 = arith.constant 0 : i32
      %dma_wait3A_133 = tpu.memref_slice %arg3[%dma_wait3A_131, %dma_wait3A_132] : memref<100000x64xi8, #tpu.memory_space<hbm>> -> memref<100000x64xi8, #tpu.memory_space<hbm>>
      tpu.wait_indirect_dma semaphore(%arg9 : memref<!tpu.dma_semaphore, #tpu.memory_space<semaphore_mem>>) src(%dma_wait3A_133 : memref<100000x64xi8, #tpu.memory_space<hbm>>) dst(%dma_wait3A_127 : memref<72x64xi8, #tpu.memory_space<vmem>>)
      %broadcast_in_dim3A = arith.constant 0 : i32
      %broadcast_in_dim3A_134 = vector.broadcast %broadcast_in_dim3A : i32 to vector<16xi32>
      %scan3A_135 = arith.constant 0 : i32
      %scan3A_136 = arith.constant 25 : i32
      %scan3A_137 = arith.addi %scan3A_135, %scan3A_136 : i32
      %scan3A_138 = arith.constant 1 : i32
      %scan3A_139:8 = scf.for %scan3A_561 = %scan3A_135 to %scan3A_137 step %scan3A_138 iter_args(%scan3A_562 = %broadcast_in_dim3A_134, %scan3A_563 = %broadcast_in_dim3A_134, %scan3A_564 = %broadcast_in_dim3A_134, %scan3A_565 = %broadcast_in_dim3A_134, %scan3A_566 = %broadcast_in_dim3A_134, %scan3A_567 = %broadcast_in_dim3A_134, %scan3A_568 = %broadcast_in_dim3A_134, %scan3A_569 = %broadcast_in_dim3A_134) -> (vector<16xi32>, vector<16xi32>, vector<16xi32>, vector<16xi32>, vector<16xi32>, vector<16xi32>, vector<16xi32>, vector<16xi32>)  : i32 {
        %mul3A_570 = arith.constant 8 : i32
        %mul3A_571 = arith.muli %scan3A_561, %mul3A_570 : i32
        %add3A_572 = arith.constant 0 : i32
        %add3A_573 = arith.addi %mul3A_571, %add3A_572 : i32
        %get3A_574 = arith.constant 0 : i32
        %get3A_575 = arith.index_cast %get3A_574 : i32 to index
        %get3A_576 = arith.index_cast %add3A_573 : i32 to index
        %get3A_577 = arith.constant 0 : index
        %get3A_578 = tpu.vector_load %arg7[%get3A_575, %get3A_576, %get3A_577] {strides = array<i32>} : memref<4x200x64xi8, #tpu.memory_space<vmem>>, vector<64xi8>,
        %bitcast3A = vector.bitcast %get3A_578 : vector<64xi8> to vector<16xi32>
        %add3A_579 = arith.addi %scan3A_562, %bitcast3A : vector<16xi32>
        %mul3A_580 = arith.constant 8 : i32
        %mul3A_581 = arith.muli %scan3A_561, %mul3A_580 : i32
        %add3A_582 = arith.constant 1 : i32
        %add3A_583 = arith.addi %mul3A_581, %add3A_582 : i32
        %get3A_584 = arith.constant 0 : i32
        %get3A_585 = arith.index_cast %get3A_584 : i32 to index
        %get3A_586 = arith.index_cast %add3A_583 : i32 to index
        %get3A_587 = arith.constant 0 : index
        %get3A_588 = tpu.vector_load %arg7[%get3A_585, %get3A_586, %get3A_587] {strides = array<i32>} : memref<4x200x64xi8, #tpu.memory_space<vmem>>, vector<64xi8>,
        %bitcast3A_589 = vector.bitcast %get3A_588 : vector<64xi8> to vector<16xi32>
        %add3A_590 = arith.addi %scan3A_563, %bitcast3A_589 : vector<16xi32>
        %mul3A_591 = arith.constant 8 : i32
        %mul3A_592 = arith.muli %scan3A_561, %mul3A_591 : i32
        %add3A_593 = arith.constant 2 : i32
        %add3A_594 = arith.addi %mul3A_592, %add3A_593 : i32
        %get3A_595 = arith.constant 0 : i32
        %get3A_596 = arith.index_cast %get3A_595 : i32 to index
        %get3A_597 = arith.index_cast %add3A_594 : i32 to index
        %get3A_598 = arith.constant 0 : index
        %get3A_599 = tpu.vector_load %arg7[%get3A_596, %get3A_597, %get3A_598] {strides = array<i32>} : memref<4x200x64xi8, #tpu.memory_space<vmem>>, vector<64xi8>,
        %bitcast3A_600 = vector.bitcast %get3A_599 : vector<64xi8> to vector<16xi32>
        %add3A_601 = arith.addi %scan3A_564, %bitcast3A_600 : vector<16xi32>
        %mul3A_602 = arith.constant 8 : i32
        %mul3A_603 = arith.muli %scan3A_561, %mul3A_602 : i32
        %add3A_604 = arith.constant 3 : i32
        %add3A_605 = arith.addi %mul3A_603, %add3A_604 : i32
        %get3A_606 = arith.constant 0 : i32
        %get3A_607 = arith.index_cast %get3A_606 : i32 to index
        %get3A_608 = arith.index_cast %add3A_605 : i32 to index
        %get3A_609 = arith.constant 0 : index
        %get3A_610 = tpu.vector_load %arg7[%get3A_607, %get3A_608, %get3A_609] {strides = array<i32>} : memref<4x200x64xi8, #tpu.memory_space<vmem>>, vector<64xi8>,
        %bitcast3A_611 = vector.bitcast %get3A_610 : vector<64xi8> to vector<16xi32>
        %add3A_612 = arith.addi %scan3A_565, %bitcast3A_611 : vector<16xi32>
        %mul3A_613 = arith.constant 8 : i32
        %mul3A_614 = arith.muli %scan3A_561, %mul3A_613 : i32
        %add3A_615 = arith.constant 4 : i32
        %add3A_616 = arith.addi %mul3A_614, %add3A_615 : i32
        %get3A_617 = arith.constant 0 : i32
        %get3A_618 = arith.index_cast %get3A_617 : i32 to index
        %get3A_619 = arith.index_cast %add3A_616 : i32 to index
        %get3A_620 = arith.constant 0 : index
        %get3A_621 = tpu.vector_load %arg7[%get3A_618, %get3A_619, %get3A_620] {strides = array<i32>} : memref<4x200x64xi8, #tpu.memory_space<vmem>>, vector<64xi8>,
        %bitcast3A_622 = vector.bitcast %get3A_621 : vector<64xi8> to vector<16xi32>
        %add3A_623 = arith.addi %scan3A_566, %bitcast3A_622 : vector<16xi32>
        %mul3A_624 = arith.constant 8 : i32
        %mul3A_625 = arith.muli %scan3A_561, %mul3A_624 : i32
        %add3A_626 = arith.constant 5 : i32
        %add3A_627 = arith.addi %mul3A_625, %add3A_626 : i32
        %get3A_628 = arith.constant 0 : i32
        %get3A_629 = arith.index_cast %get3A_628 : i32 to index
        %get3A_630 = arith.index_cast %add3A_627 : i32 to index
        %get3A_631 = arith.constant 0 : index
        %get3A_632 = tpu.vector_load %arg7[%get3A_629, %get3A_630, %get3A_631] {strides = array<i32>} : memref<4x200x64xi8, #tpu.memory_space<vmem>>, vector<64xi8>,
        %bitcast3A_633 = vector.bitcast %get3A_632 : vector<64xi8> to vector<16xi32>
        %add3A_634 = arith.addi %scan3A_567, %bitcast3A_633 : vector<16xi32>
        %mul3A_635 = arith.constant 8 : i32
        %mul3A_636 = arith.muli %scan3A_561, %mul3A_635 : i32
        %add3A_637 = arith.constant 6 : i32
        %add3A_638 = arith.addi %mul3A_636, %add3A_637 : i32
        %get3A_639 = arith.constant 0 : i32
        %get3A_640 = arith.index_cast %get3A_639 : i32 to index
        %get3A_641 = arith.index_cast %add3A_638 : i32 to index
        %get3A_642 = arith.constant 0 : index
        %get3A_643 = tpu.vector_load %arg7[%get3A_640, %get3A_641, %get3A_642] {strides = array<i32>} : memref<4x200x64xi8, #tpu.memory_space<vmem>>, vector<64xi8>,
        %bitcast3A_644 = vector.bitcast %get3A_643 : vector<64xi8> to vector<16xi32>
        %add3A_645 = arith.addi %scan3A_568, %bitcast3A_644 : vector<16xi32>
        %mul3A_646 = arith.constant 8 : i32
        %mul3A_647 = arith.muli %scan3A_561, %mul3A_646 : i32
        %add3A_648 = arith.constant 7 : i32
        %add3A_649 = arith.addi %mul3A_647, %add3A_648 : i32
        %get3A_650 = arith.constant 0 : i32
        %get3A_651 = arith.index_cast %get3A_650 : i32 to index
        %get3A_652 = arith.index_cast %add3A_649 : i32 to index
        %get3A_653 = arith.constant 0 : index
        %get3A_654 = tpu.vector_load %arg7[%get3A_651, %get3A_652, %get3A_653] {strides = array<i32>} : memref<4x200x64xi8, #tpu.memory_space<vmem>>, vector<64xi8>,
        %bitcast3A_655 = vector.bitcast %get3A_654 : vector<64xi8> to vector<16xi32>
        %add3A_656 = arith.addi %scan3A_569, %bitcast3A_655 : vector<16xi32>
        scf.yield %add3A_579, %add3A_590, %add3A_601, %add3A_612, %add3A_623, %add3A_634, %add3A_645, %add3A_656 : vector<16xi32>, vector<16xi32>, vector<16xi32>, vector<16xi32>, vector<16xi32>, vector<16xi32>, vector<16xi32>, vector<16xi32>
      }
      %scan3A_140 = arith.constant 25 : i32
      %add3A_141 = arith.addi %scan3A_139#0, %scan3A_139#1 : vector<16xi32>
      %add3A_142 = arith.addi %add3A_141, %scan3A_139#2 : vector<16xi32>
      %add3A_143 = arith.addi %add3A_142, %scan3A_139#3 : vector<16xi32>
      %add3A_144 = arith.addi %add3A_143, %scan3A_139#4 : vector<16xi32>
      %add3A_145 = arith.addi %add3A_144, %scan3A_139#5 : vector<16xi32>
      %add3A_146 = arith.addi %add3A_145, %scan3A_139#6 : vector<16xi32>
      %add3A_147 = arith.addi %add3A_146, %scan3A_139#7 : vector<16xi32>
      %iota3A = tpu.iota {dimensions = array<i32: 0>} : vector<16xi32>
      %mul3A_148 = arith.constant 4 : i32
      %mul3A_149 = vector.broadcast %mul3A_148 : i32 to vector<16xi32>
      %mul3A_150 = arith.muli %mul3A_149, %iota3A : vector<16xi32>
      %broadcast_in_dim3A_151 = vector.broadcast %add3A_112 : i32 to vector<16xi32>
      %shift_right_logical3A = arith.constant 0 : i32
      %shift_right_logical3A_152 = vector.broadcast %shift_right_logical3A : i32 to vector<16xi32>
      %shift_right_logical3A_153 = arith.shrui %add3A_147, %shift_right_logical3A_152 : vector<16xi32>
      %and3A = arith.constant 255 : i32
      %and3A_154 = vector.broadcast %and3A : i32 to vector<16xi32>
      %and3A_155 = arith.andi %shift_right_logical3A_153, %and3A_154 : vector<16xi32>
      %add3A_156 = arith.constant 0 : i32
      %add3A_157 = vector.broadcast %add3A_156 : i32 to vector<16xi32>
      %add3A_158 = arith.addi %mul3A_150, %add3A_157 : vector<16xi32>
      %gt3A = vector.broadcast %squeeze3A : i32 to vector<16xi32>
      %gt3A_159 = arith.cmpi ugt, %and3A_155, %gt3A : vector<16xi32>
      %jit3A = arith.constant 1.000000e+00 : f32
      %jit3A_160 = arith.constant -1.000000e+00 : f32
      %broadcast_in_dim3A_161 = vector.broadcast %jit3A : f32 to vector<16xf32>
      %broadcast_in_dim3A_162 = vector.broadcast %jit3A_160 : f32 to vector<16xf32>
      %select_n3A = arith.select %gt3A_159, %broadcast_in_dim3A_161, %broadcast_in_dim3A_162 : vector<16xi1>, vector<16xf32>
      tpu.vector_store_idx %arg8[%broadcast_in_dim3A_151, %add3A_158], %select_n3A : memref<128x64xf32, #tpu.memory_space<vmem>>[vector<16xi32>, vector<16xi32>], vector<16xf32>,
      %shift_right_logical3A_163 = arith.constant 8 : i32
      %shift_right_logical3A_164 = vector.broadcast %shift_right_logical3A_163 : i32 to vector<16xi32>
      %shift_right_logical3A_165 = arith.shrui %add3A_147, %shift_right_logical3A_164 : vector<16xi32>
      %and3A_166 = arith.constant 255 : i32
      %and3A_167 = vector.broadcast %and3A_166 : i32 to vector<16xi32>
      %and3A_168 = arith.andi %shift_right_logical3A_165, %and3A_167 : vector<16xi32>
      %add3A_169 = arith.constant 1 : i32
      %add3A_170 = vector.broadcast %add3A_169 : i32 to vector<16xi32>
      %add3A_171 = arith.addi %mul3A_150, %add3A_170 : vector<16xi32>
      %gt3A_172 = vector.broadcast %squeeze3A : i32 to vector<16xi32>
      %gt3A_173 = arith.cmpi ugt, %and3A_168, %gt3A_172 : vector<16xi32>
      %jit3A_174 = arith.constant 1.000000e+00 : f32
      %jit3A_175 = arith.constant -1.000000e+00 : f32
      %broadcast_in_dim3A_176 = vector.broadcast %jit3A_174 : f32 to vector<16xf32>
      %broadcast_in_dim3A_177 = vector.broadcast %jit3A_175 : f32 to vector<16xf32>
      %select_n3A_178 = arith.select %gt3A_173, %broadcast_in_dim3A_176, %broadcast_in_dim3A_177 : vector<16xi1>, vector<16xf32>
      tpu.vector_store_idx %arg8[%broadcast_in_dim3A_151, %add3A_171], %select_n3A_178 : memref<128x64xf32, #tpu.memory_space<vmem>>[vector<16xi32>, vector<16xi32>], vector<16xf32>,
      %shift_right_logical3A_179 = arith.constant 16 : i32
      %shift_right_logical3A_180 = vector.broadcast %shift_right_logical3A_179 : i32 to vector<16xi32>
      %shift_right_logical3A_181 = arith.shrui %add3A_147, %shift_right_logical3A_180 : vector<16xi32>
      %and3A_182 = arith.constant 255 : i32
      %and3A_183 = vector.broadcast %and3A_182 : i32 to vector<16xi32>
      %and3A_184 = arith.andi %shift_right_logical3A_181, %and3A_183 : vector<16xi32>
      %add3A_185 = arith.constant 2 : i32
      %add3A_186 = vector.broadcast %add3A_185 : i32 to vector<16xi32>
      %add3A_187 = arith.addi %mul3A_150, %add3A_186 : vector<16xi32>
      %gt3A_188 = vector.broadcast %squeeze3A : i32 to vector<16xi32>
      %gt3A_189 = arith.cmpi ugt, %and3A_184, %gt3A_188 : vector<16xi32>
      %jit3A_190 = arith.constant 1.000000e+00 : f32
      %jit3A_191 = arith.constant -1.000000e+00 : f32
      %broadcast_in_dim3A_192 = vector.broadcast %jit3A_190 : f32 to vector<16xf32>
      %broadcast_in_dim3A_193 = vector.broadcast %jit3A_191 : f32 to vector<16xf32>
      %select_n3A_194 = arith.select %gt3A_189, %broadcast_in_dim3A_192, %broadcast_in_dim3A_193 : vector<16xi1>, vector<16xf32>
      tpu.vector_store_idx %arg8[%broadcast_in_dim3A_151, %add3A_187], %select_n3A_194 : memref<128x64xf32, #tpu.memory_space<vmem>>[vector<16xi32>, vector<16xi32>], vector<16xf32>,
      %shift_right_logical3A_195 = arith.constant 24 : i32
      %shift_right_logical3A_196 = vector.broadcast %shift_right_logical3A_195 : i32 to vector<16xi32>
      %shift_right_logical3A_197 = arith.shrui %add3A_147, %shift_right_logical3A_196 : vector<16xi32>
      %and3A_198 = arith.constant 255 : i32
      %and3A_199 = vector.broadcast %and3A_198 : i32 to vector<16xi32>
      %and3A_200 = arith.andi %shift_right_logical3A_197, %and3A_199 : vector<16xi32>
      %add3A_201 = arith.constant 3 : i32
      %add3A_202 = vector.broadcast %add3A_201 : i32 to vector<16xi32>
      %add3A_203 = arith.addi %mul3A_150, %add3A_202 : vector<16xi32>
      %gt3A_204 = vector.broadcast %squeeze3A : i32 to vector<16xi32>
      %gt3A_205 = arith.cmpi ugt, %and3A_200, %gt3A_204 : vector<16xi32>
      %jit3A_206 = arith.constant 1.000000e+00 : f32
      %jit3A_207 = arith.constant -1.000000e+00 : f32
      %broadcast_in_dim3A_208 = vector.broadcast %jit3A_206 : f32 to vector<16xf32>
      %broadcast_in_dim3A_209 = vector.broadcast %jit3A_207 : f32 to vector<16xf32>
      %select_n3A_210 = arith.select %gt3A_205, %broadcast_in_dim3A_208, %broadcast_in_dim3A_209 : vector<16xi1>, vector<16xf32>
      tpu.vector_store_idx %arg8[%broadcast_in_dim3A_151, %add3A_203], %select_n3A_210 : memref<128x64xf32, #tpu.memory_space<vmem>>[vector<16xi32>, vector<16xi32>], vector<16xf32>,
      %add3A_211 = arith.constant 4 : i32
      %add3A_212 = arith.addi %add3A_112, %add3A_211 : i32
      %lt3A = arith.constant 128 : i32
      %lt3A_213 = arith.cmpi slt, %add3A_212, %lt3A : i32
      %convert_element_type3A = arith.extui %lt3A_213 : i1 to i32
      %cond3A = arith.constant 0 : i32
      %cond3A_214 = arith.cmpi ne, %convert_element_type3A, %cond3A : i32
      scf.if %cond3A_214 {
        %dma_start3A_561 = arith.constant 0 : i32
        %dma_start3A_562 = arith.constant 0 : i32
        %dma_start3A_563 = arith.constant 0 : i32
        %dma_start3A_564 = tpu.memref_slice %arg7[%dma_start3A_561, %dma_start3A_562, %dma_start3A_563] : memref<4x200x64xi8, #tpu.memory_space<vmem>> -> memref<1x128x64xi8, #tpu.memory_space<vmem>>
        %dma_start3A_565 = tpu.memref_squeeze %dma_start3A_564 : memref<1x128x64xi8, #tpu.memory_space<vmem>> -> memref<128x64xi8, #tpu.memory_space<vmem>>
        %dma_start3A_566 = arith.constant 0 : i32
        %dma_start3A_567 = tpu.memref_slice %arg6[%add3A_212, %dma_start3A_566] : memref<128x200xi32, #tpu.memory_space<vmem>> -> memref<1x128xi32, #tpu.memory_space<vmem>>
        %dma_start3A_568 = tpu.memref_squeeze %dma_start3A_567 : memref<1x128xi32, #tpu.memory_space<vmem>> -> memref<128xi32, #tpu.memory_space<vmem>>
        %dma_start3A_569 = arith.constant 0 : i32
        %dma_start3A_570 = arith.constant 0 : i32
        %dma_start3A_571 = tpu.memref_slice %arg3[%dma_start3A_569, %dma_start3A_570] : memref<100000x64xi8, #tpu.memory_space<hbm>> -> memref<100000x64xi8, #tpu.memory_space<hbm>>
        tpu.enqueue_indirect_dma source(%dma_start3A_571 : memref<100000x64xi8, #tpu.memory_space<hbm>>) target(%dma_start3A_565 : memref<128x64xi8, #tpu.memory_space<vmem>>) offsets(%dma_start3A_568 : memref<128xi32, #tpu.memory_space<vmem>>) semaphore(%arg9 : memref<!tpu.dma_semaphore, #tpu.memory_space<semaphore_mem>>)
        %dma_start3A_572 = arith.constant 0 : i32
        %dma_start3A_573 = arith.constant 128 : i32
        %dma_start3A_574 = arith.constant 0 : i32
        %dma_start3A_575 = tpu.memref_slice %arg7[%dma_start3A_572, %dma_start3A_573, %dma_start3A_574] : memref<4x200x64xi8, #tpu.memory_space<vmem>> -> memref<1x72x64xi8, #tpu.memory_space<vmem>>
        %dma_start3A_576 = tpu.memref_squeeze %dma_start3A_575 : memref<1x72x64xi8, #tpu.memory_space<vmem>> -> memref<72x64xi8, #tpu.memory_space<vmem>>
        %dma_start3A_577 = arith.constant 128 : i32
        %dma_start3A_578 = tpu.memref_slice %arg6[%add3A_212, %dma_start3A_577] : memref<128x200xi32, #tpu.memory_space<vmem>> -> memref<1x72xi32, #tpu.memory_space<vmem>>
        %dma_start3A_579 = tpu.memref_squeeze %dma_start3A_578 : memref<1x72xi32, #tpu.memory_space<vmem>> -> memref<72xi32, #tpu.memory_space<vmem>>
        %dma_start3A_580 = arith.constant 0 : i32
        %dma_start3A_581 = arith.constant 0 : i32
        %dma_start3A_582 = tpu.memref_slice %arg3[%dma_start3A_580, %dma_start3A_581] : memref<100000x64xi8, #tpu.memory_space<hbm>> -> memref<100000x64xi8, #tpu.memory_space<hbm>>
        tpu.enqueue_indirect_dma source(%dma_start3A_582 : memref<100000x64xi8, #tpu.memory_space<hbm>>) target(%dma_start3A_576 : memref<72x64xi8, #tpu.memory_space<vmem>>) offsets(%dma_start3A_579 : memref<72xi32, #tpu.memory_space<vmem>>) semaphore(%arg9 : memref<!tpu.dma_semaphore, #tpu.memory_space<semaphore_mem>>)
      } else {
      }
      %add3A_215 = arith.constant 1 : i32
      %add3A_216 = arith.addi %mul3A_110, %add3A_215 : i32
      %dma_wait3A_217 = arith.constant 1 : i32
      %dma_wait3A_218 = arith.constant 0 : i32
      %dma_wait3A_219 = arith.constant 0 : i32
      %dma_wait3A_220 = tpu.memref_slice %arg7[%dma_wait3A_217, %dma_wait3A_218, %dma_wait3A_219] : memref<4x200x64xi8, #tpu.memory_space<vmem>> -> memref<1x128x64xi8, #tpu.memory_space<vmem>>
      %dma_wait3A_221 = tpu.memref_squeeze %dma_wait3A_220 : memref<1x128x64xi8, #tpu.memory_space<vmem>> -> memref<128x64xi8, #tpu.memory_space<vmem>>
      %dma_wait3A_222 = arith.constant 0 : i32
      %dma_wait3A_223 = tpu.memref_slice %arg6[%add3A_216, %dma_wait3A_222] : memref<128x200xi32, #tpu.memory_space<vmem>> -> memref<1x128xi32, #tpu.memory_space<vmem>>
      %dma_wait3A_224 = tpu.memref_squeeze %dma_wait3A_223 : memref<1x128xi32, #tpu.memory_space<vmem>> -> memref<128xi32, #tpu.memory_space<vmem>>
      %dma_wait3A_225 = arith.constant 0 : i32
      %dma_wait3A_226 = arith.constant 0 : i32
      %dma_wait3A_227 = tpu.memref_slice %arg3[%dma_wait3A_225, %dma_wait3A_226] : memref<100000x64xi8, #tpu.memory_space<hbm>> -> memref<100000x64xi8, #tpu.memory_space<hbm>>
      tpu.wait_indirect_dma semaphore(%arg10 : memref<!tpu.dma_semaphore, #tpu.memory_space<semaphore_mem>>) src(%dma_wait3A_227 : memref<100000x64xi8, #tpu.memory_space<hbm>>) dst(%dma_wait3A_221 : memref<128x64xi8, #tpu.memory_space<vmem>>)
      %dma_wait3A_228 = arith.constant 1 : i32
      %dma_wait3A_229 = arith.constant 128 : i32
      %dma_wait3A_230 = arith.constant 0 : i32
      %dma_wait3A_231 = tpu.memref_slice %arg7[%dma_wait3A_228, %dma_wait3A_229, %dma_wait3A_230] : memref<4x200x64xi8, #tpu.memory_space<vmem>> -> memref<1x72x64xi8, #tpu.memory_space<vmem>>
      %dma_wait3A_232 = tpu.memref_squeeze %dma_wait3A_231 : memref<1x72x64xi8, #tpu.memory_space<vmem>> -> memref<72x64xi8, #tpu.memory_space<vmem>>
      %dma_wait3A_233 = arith.constant 128 : i32
      %dma_wait3A_234 = tpu.memref_slice %arg6[%add3A_216, %dma_wait3A_233] : memref<128x200xi32, #tpu.memory_space<vmem>> -> memref<1x72xi32, #tpu.memory_space<vmem>>
      %dma_wait3A_235 = tpu.memref_squeeze %dma_wait3A_234 : memref<1x72xi32, #tpu.memory_space<vmem>> -> memref<72xi32, #tpu.memory_space<vmem>>
      %dma_wait3A_236 = arith.constant 0 : i32
      %dma_wait3A_237 = arith.constant 0 : i32
      %dma_wait3A_238 = tpu.memref_slice %arg3[%dma_wait3A_236, %dma_wait3A_237] : memref<100000x64xi8, #tpu.memory_space<hbm>> -> memref<100000x64xi8, #tpu.memory_space<hbm>>
      tpu.wait_indirect_dma semaphore(%arg10 : memref<!tpu.dma_semaphore, #tpu.memory_space<semaphore_mem>>) src(%dma_wait3A_238 : memref<100000x64xi8, #tpu.memory_space<hbm>>) dst(%dma_wait3A_232 : memref<72x64xi8, #tpu.memory_space<vmem>>)
      %broadcast_in_dim3A_239 = arith.constant 0 : i32
      %broadcast_in_dim3A_240 = vector.broadcast %broadcast_in_dim3A_239 : i32 to vector<16xi32>
      %scan3A_241 = arith.constant 0 : i32
      %scan3A_242 = arith.constant 25 : i32
      %scan3A_243 = arith.addi %scan3A_241, %scan3A_242 : i32
      %scan3A_244 = arith.constant 1 : i32
      %scan3A_245:8 = scf.for %scan3A_561 = %scan3A_241 to %scan3A_243 step %scan3A_244 iter_args(%scan3A_562 = %broadcast_in_dim3A_240, %scan3A_563 = %broadcast_in_dim3A_240, %scan3A_564 = %broadcast_in_dim3A_240, %scan3A_565 = %broadcast_in_dim3A_240, %scan3A_566 = %broadcast_in_dim3A_240, %scan3A_567 = %broadcast_in_dim3A_240, %scan3A_568 = %broadcast_in_dim3A_240, %scan3A_569 = %broadcast_in_dim3A_240) -> (vector<16xi32>, vector<16xi32>, vector<16xi32>, vector<16xi32>, vector<16xi32>, vector<16xi32>, vector<16xi32>, vector<16xi32>)  : i32 {
        %mul3A_570 = arith.constant 8 : i32
        %mul3A_571 = arith.muli %scan3A_561, %mul3A_570 : i32
        %add3A_572 = arith.constant 0 : i32
        %add3A_573 = arith.addi %mul3A_571, %add3A_572 : i32
        %get3A_574 = arith.constant 1 : i32
        %get3A_575 = arith.index_cast %get3A_574 : i32 to index
        %get3A_576 = arith.index_cast %add3A_573 : i32 to index
        %get3A_577 = arith.constant 0 : index
        %get3A_578 = tpu.vector_load %arg7[%get3A_575, %get3A_576, %get3A_577] {strides = array<i32>} : memref<4x200x64xi8, #tpu.memory_space<vmem>>, vector<64xi8>,
        %bitcast3A = vector.bitcast %get3A_578 : vector<64xi8> to vector<16xi32>
        %add3A_579 = arith.addi %scan3A_562, %bitcast3A : vector<16xi32>
        %mul3A_580 = arith.constant 8 : i32
        %mul3A_581 = arith.muli %scan3A_561, %mul3A_580 : i32
        %add3A_582 = arith.constant 1 : i32
        %add3A_583 = arith.addi %mul3A_581, %add3A_582 : i32
        %get3A_584 = arith.constant 1 : i32
        %get3A_585 = arith.index_cast %get3A_584 : i32 to index
        %get3A_586 = arith.index_cast %add3A_583 : i32 to index
        %get3A_587 = arith.constant 0 : index
        %get3A_588 = tpu.vector_load %arg7[%get3A_585, %get3A_586, %get3A_587] {strides = array<i32>} : memref<4x200x64xi8, #tpu.memory_space<vmem>>, vector<64xi8>,
        %bitcast3A_589 = vector.bitcast %get3A_588 : vector<64xi8> to vector<16xi32>
        %add3A_590 = arith.addi %scan3A_563, %bitcast3A_589 : vector<16xi32>
        %mul3A_591 = arith.constant 8 : i32
        %mul3A_592 = arith.muli %scan3A_561, %mul3A_591 : i32
        %add3A_593 = arith.constant 2 : i32
        %add3A_594 = arith.addi %mul3A_592, %add3A_593 : i32
        %get3A_595 = arith.constant 1 : i32
        %get3A_596 = arith.index_cast %get3A_595 : i32 to index
        %get3A_597 = arith.index_cast %add3A_594 : i32 to index
        %get3A_598 = arith.constant 0 : index
        %get3A_599 = tpu.vector_load %arg7[%get3A_596, %get3A_597, %get3A_598] {strides = array<i32>} : memref<4x200x64xi8, #tpu.memory_space<vmem>>, vector<64xi8>,
        %bitcast3A_600 = vector.bitcast %get3A_599 : vector<64xi8> to vector<16xi32>
        %add3A_601 = arith.addi %scan3A_564, %bitcast3A_600 : vector<16xi32>
        %mul3A_602 = arith.constant 8 : i32
        %mul3A_603 = arith.muli %scan3A_561, %mul3A_602 : i32
        %add3A_604 = arith.constant 3 : i32
        %add3A_605 = arith.addi %mul3A_603, %add3A_604 : i32
        %get3A_606 = arith.constant 1 : i32
        %get3A_607 = arith.index_cast %get3A_606 : i32 to index
        %get3A_608 = arith.index_cast %add3A_605 : i32 to index
        %get3A_609 = arith.constant 0 : index
        %get3A_610 = tpu.vector_load %arg7[%get3A_607, %get3A_608, %get3A_609] {strides = array<i32>} : memref<4x200x64xi8, #tpu.memory_space<vmem>>, vector<64xi8>,
        %bitcast3A_611 = vector.bitcast %get3A_610 : vector<64xi8> to vector<16xi32>
        %add3A_612 = arith.addi %scan3A_565, %bitcast3A_611 : vector<16xi32>
        %mul3A_613 = arith.constant 8 : i32
        %mul3A_614 = arith.muli %scan3A_561, %mul3A_613 : i32
        %add3A_615 = arith.constant 4 : i32
        %add3A_616 = arith.addi %mul3A_614, %add3A_615 : i32
        %get3A_617 = arith.constant 1 : i32
        %get3A_618 = arith.index_cast %get3A_617 : i32 to index
        %get3A_619 = arith.index_cast %add3A_616 : i32 to index
        %get3A_620 = arith.constant 0 : index
        %get3A_621 = tpu.vector_load %arg7[%get3A_618, %get3A_619, %get3A_620] {strides = array<i32>} : memref<4x200x64xi8, #tpu.memory_space<vmem>>, vector<64xi8>,
        %bitcast3A_622 = vector.bitcast %get3A_621 : vector<64xi8> to vector<16xi32>
        %add3A_623 = arith.addi %scan3A_566, %bitcast3A_622 : vector<16xi32>
        %mul3A_624 = arith.constant 8 : i32
        %mul3A_625 = arith.muli %scan3A_561, %mul3A_624 : i32
        %add3A_626 = arith.constant 5 : i32
        %add3A_627 = arith.addi %mul3A_625, %add3A_626 : i32
        %get3A_628 = arith.constant 1 : i32
        %get3A_629 = arith.index_cast %get3A_628 : i32 to index
        %get3A_630 = arith.index_cast %add3A_627 : i32 to index
        %get3A_631 = arith.constant 0 : index
        %get3A_632 = tpu.vector_load %arg7[%get3A_629, %get3A_630, %get3A_631] {strides = array<i32>} : memref<4x200x64xi8, #tpu.memory_space<vmem>>, vector<64xi8>,
        %bitcast3A_633 = vector.bitcast %get3A_632 : vector<64xi8> to vector<16xi32>
        %add3A_634 = arith.addi %scan3A_567, %bitcast3A_633 : vector<16xi32>
        %mul3A_635 = arith.constant 8 : i32
        %mul3A_636 = arith.muli %scan3A_561, %mul3A_635 : i32
        %add3A_637 = arith.constant 6 : i32
        %add3A_638 = arith.addi %mul3A_636, %add3A_637 : i32
        %get3A_639 = arith.constant 1 : i32
        %get3A_640 = arith.index_cast %get3A_639 : i32 to index
        %get3A_641 = arith.index_cast %add3A_638 : i32 to index
        %get3A_642 = arith.constant 0 : index
        %get3A_643 = tpu.vector_load %arg7[%get3A_640, %get3A_641, %get3A_642] {strides = array<i32>} : memref<4x200x64xi8, #tpu.memory_space<vmem>>, vector<64xi8>,
        %bitcast3A_644 = vector.bitcast %get3A_643 : vector<64xi8> to vector<16xi32>
        %add3A_645 = arith.addi %scan3A_568, %bitcast3A_644 : vector<16xi32>
        %mul3A_646 = arith.constant 8 : i32
        %mul3A_647 = arith.muli %scan3A_561, %mul3A_646 : i32
        %add3A_648 = arith.constant 7 : i32
        %add3A_649 = arith.addi %mul3A_647, %add3A_648 : i32
        %get3A_650 = arith.constant 1 : i32
        %get3A_651 = arith.index_cast %get3A_650 : i32 to index
        %get3A_652 = arith.index_cast %add3A_649 : i32 to index
        %get3A_653 = arith.constant 0 : index
        %get3A_654 = tpu.vector_load %arg7[%get3A_651, %get3A_652, %get3A_653] {strides = array<i32>} : memref<4x200x64xi8, #tpu.memory_space<vmem>>, vector<64xi8>,
        %bitcast3A_655 = vector.bitcast %get3A_654 : vector<64xi8> to vector<16xi32>
        %add3A_656 = arith.addi %scan3A_569, %bitcast3A_655 : vector<16xi32>
        scf.yield %add3A_579, %add3A_590, %add3A_601, %add3A_612, %add3A_623, %add3A_634, %add3A_645, %add3A_656 : vector<16xi32>, vector<16xi32>, vector<16xi32>, vector<16xi32>, vector<16xi32>, vector<16xi32>, vector<16xi32>, vector<16xi32>
      }
      %scan3A_246 = arith.constant 25 : i32
      %add3A_247 = arith.addi %scan3A_245#0, %scan3A_245#1 : vector<16xi32>
      %add3A_248 = arith.addi %add3A_247, %scan3A_245#2 : vector<16xi32>
      %add3A_249 = arith.addi %add3A_248, %scan3A_245#3 : vector<16xi32>
      %add3A_250 = arith.addi %add3A_249, %scan3A_245#4 : vector<16xi32>
      %add3A_251 = arith.addi %add3A_250, %scan3A_245#5 : vector<16xi32>
      %add3A_252 = arith.addi %add3A_251, %scan3A_245#6 : vector<16xi32>
      %add3A_253 = arith.addi %add3A_252, %scan3A_245#7 : vector<16xi32>
      %iota3A_254 = tpu.iota {dimensions = array<i32: 0>} : vector<16xi32>
      %mul3A_255 = arith.constant 4 : i32
      %mul3A_256 = vector.broadcast %mul3A_255 : i32 to vector<16xi32>
      %mul3A_257 = arith.muli %mul3A_256, %iota3A_254 : vector<16xi32>
      %broadcast_in_dim3A_258 = vector.broadcast %add3A_216 : i32 to vector<16xi32>
      %shift_right_logical3A_259 = arith.constant 0 : i32
      %shift_right_logical3A_260 = vector.broadcast %shift_right_logical3A_259 : i32 to vector<16xi32>
      %shift_right_logical3A_261 = arith.shrui %add3A_253, %shift_right_logical3A_260 : vector<16xi32>
      %and3A_262 = arith.constant 255 : i32
      %and3A_263 = vector.broadcast %and3A_262 : i32 to vector<16xi32>
      %and3A_264 = arith.andi %shift_right_logical3A_261, %and3A_263 : vector<16xi32>
      %add3A_265 = arith.constant 0 : i32
      %add3A_266 = vector.broadcast %add3A_265 : i32 to vector<16xi32>
      %add3A_267 = arith.addi %mul3A_257, %add3A_266 : vector<16xi32>
      %gt3A_268 = vector.broadcast %squeeze3A : i32 to vector<16xi32>
      %gt3A_269 = arith.cmpi ugt, %and3A_264, %gt3A_268 : vector<16xi32>
      %jit3A_270 = arith.constant 1.000000e+00 : f32
      %jit3A_271 = arith.constant -1.000000e+00 : f32
      %broadcast_in_dim3A_272 = vector.broadcast %jit3A_270 : f32 to vector<16xf32>
      %broadcast_in_dim3A_273 = vector.broadcast %jit3A_271 : f32 to vector<16xf32>
      %select_n3A_274 = arith.select %gt3A_269, %broadcast_in_dim3A_272, %broadcast_in_dim3A_273 : vector<16xi1>, vector<16xf32>
      tpu.vector_store_idx %arg8[%broadcast_in_dim3A_258, %add3A_267], %select_n3A_274 : memref<128x64xf32, #tpu.memory_space<vmem>>[vector<16xi32>, vector<16xi32>], vector<16xf32>,
      %shift_right_logical3A_275 = arith.constant 8 : i32
      %shift_right_logical3A_276 = vector.broadcast %shift_right_logical3A_275 : i32 to vector<16xi32>
      %shift_right_logical3A_277 = arith.shrui %add3A_253, %shift_right_logical3A_276 : vector<16xi32>
      %and3A_278 = arith.constant 255 : i32
      %and3A_279 = vector.broadcast %and3A_278 : i32 to vector<16xi32>
      %and3A_280 = arith.andi %shift_right_logical3A_277, %and3A_279 : vector<16xi32>
      %add3A_281 = arith.constant 1 : i32
      %add3A_282 = vector.broadcast %add3A_281 : i32 to vector<16xi32>
      %add3A_283 = arith.addi %mul3A_257, %add3A_282 : vector<16xi32>
      %gt3A_284 = vector.broadcast %squeeze3A : i32 to vector<16xi32>
      %gt3A_285 = arith.cmpi ugt, %and3A_280, %gt3A_284 : vector<16xi32>
      %jit3A_286 = arith.constant 1.000000e+00 : f32
      %jit3A_287 = arith.constant -1.000000e+00 : f32
      %broadcast_in_dim3A_288 = vector.broadcast %jit3A_286 : f32 to vector<16xf32>
      %broadcast_in_dim3A_289 = vector.broadcast %jit3A_287 : f32 to vector<16xf32>
      %select_n3A_290 = arith.select %gt3A_285, %broadcast_in_dim3A_288, %broadcast_in_dim3A_289 : vector<16xi1>, vector<16xf32>
      tpu.vector_store_idx %arg8[%broadcast_in_dim3A_258, %add3A_283], %select_n3A_290 : memref<128x64xf32, #tpu.memory_space<vmem>>[vector<16xi32>, vector<16xi32>], vector<16xf32>,
      %shift_right_logical3A_291 = arith.constant 16 : i32
      %shift_right_logical3A_292 = vector.broadcast %shift_right_logical3A_291 : i32 to vector<16xi32>
      %shift_right_logical3A_293 = arith.shrui %add3A_253, %shift_right_logical3A_292 : vector<16xi32>
      %and3A_294 = arith.constant 255 : i32
      %and3A_295 = vector.broadcast %and3A_294 : i32 to vector<16xi32>
      %and3A_296 = arith.andi %shift_right_logical3A_293, %and3A_295 : vector<16xi32>
      %add3A_297 = arith.constant 2 : i32
      %add3A_298 = vector.broadcast %add3A_297 : i32 to vector<16xi32>
      %add3A_299 = arith.addi %mul3A_257, %add3A_298 : vector<16xi32>
      %gt3A_300 = vector.broadcast %squeeze3A : i32 to vector<16xi32>
      %gt3A_301 = arith.cmpi ugt, %and3A_296, %gt3A_300 : vector<16xi32>
      %jit3A_302 = arith.constant 1.000000e+00 : f32
      %jit3A_303 = arith.constant -1.000000e+00 : f32
      %broadcast_in_dim3A_304 = vector.broadcast %jit3A_302 : f32 to vector<16xf32>
      %broadcast_in_dim3A_305 = vector.broadcast %jit3A_303 : f32 to vector<16xf32>
      %select_n3A_306 = arith.select %gt3A_301, %broadcast_in_dim3A_304, %broadcast_in_dim3A_305 : vector<16xi1>, vector<16xf32>
      tpu.vector_store_idx %arg8[%broadcast_in_dim3A_258, %add3A_299], %select_n3A_306 : memref<128x64xf32, #tpu.memory_space<vmem>>[vector<16xi32>, vector<16xi32>], vector<16xf32>,
      %shift_right_logical3A_307 = arith.constant 24 : i32
      %shift_right_logical3A_308 = vector.broadcast %shift_right_logical3A_307 : i32 to vector<16xi32>
      %shift_right_logical3A_309 = arith.shrui %add3A_253, %shift_right_logical3A_308 : vector<16xi32>
      %and3A_310 = arith.constant 255 : i32
      %and3A_311 = vector.broadcast %and3A_310 : i32 to vector<16xi32>
      %and3A_312 = arith.andi %shift_right_logical3A_309, %and3A_311 : vector<16xi32>
      %add3A_313 = arith.constant 3 : i32
      %add3A_314 = vector.broadcast %add3A_313 : i32 to vector<16xi32>
      %add3A_315 = arith.addi %mul3A_257, %add3A_314 : vector<16xi32>
      %gt3A_316 = vector.broadcast %squeeze3A : i32 to vector<16xi32>
      %gt3A_317 = arith.cmpi ugt, %and3A_312, %gt3A_316 : vector<16xi32>
      %jit3A_318 = arith.constant 1.000000e+00 : f32
      %jit3A_319 = arith.constant -1.000000e+00 : f32
      %broadcast_in_dim3A_320 = vector.broadcast %jit3A_318 : f32 to vector<16xf32>
      %broadcast_in_dim3A_321 = vector.broadcast %jit3A_319 : f32 to vector<16xf32>
      %select_n3A_322 = arith.select %gt3A_317, %broadcast_in_dim3A_320, %broadcast_in_dim3A_321 : vector<16xi1>, vector<16xf32>
      tpu.vector_store_idx %arg8[%broadcast_in_dim3A_258, %add3A_315], %select_n3A_322 : memref<128x64xf32, #tpu.memory_space<vmem>>[vector<16xi32>, vector<16xi32>], vector<16xf32>,
      %add3A_323 = arith.constant 4 : i32
      %add3A_324 = arith.addi %add3A_216, %add3A_323 : i32
      %lt3A_325 = arith.constant 128 : i32
      %lt3A_326 = arith.cmpi slt, %add3A_324, %lt3A_325 : i32
      %convert_element_type3A_327 = arith.extui %lt3A_326 : i1 to i32
      %cond3A_328 = arith.constant 0 : i32
      %cond3A_329 = arith.cmpi ne, %convert_element_type3A_327, %cond3A_328 : i32
      scf.if %cond3A_329 {
        %dma_start3A_561 = arith.constant 1 : i32
        %dma_start3A_562 = arith.constant 0 : i32
        %dma_start3A_563 = arith.constant 0 : i32
        %dma_start3A_564 = tpu.memref_slice %arg7[%dma_start3A_561, %dma_start3A_562, %dma_start3A_563] : memref<4x200x64xi8, #tpu.memory_space<vmem>> -> memref<1x128x64xi8, #tpu.memory_space<vmem>>
        %dma_start3A_565 = tpu.memref_squeeze %dma_start3A_564 : memref<1x128x64xi8, #tpu.memory_space<vmem>> -> memref<128x64xi8, #tpu.memory_space<vmem>>
        %dma_start3A_566 = arith.constant 0 : i32
        %dma_start3A_567 = tpu.memref_slice %arg6[%add3A_324, %dma_start3A_566] : memref<128x200xi32, #tpu.memory_space<vmem>> -> memref<1x128xi32, #tpu.memory_space<vmem>>
        %dma_start3A_568 = tpu.memref_squeeze %dma_start3A_567 : memref<1x128xi32, #tpu.memory_space<vmem>> -> memref<128xi32, #tpu.memory_space<vmem>>
        %dma_start3A_569 = arith.constant 0 : i32
        %dma_start3A_570 = arith.constant 0 : i32
        %dma_start3A_571 = tpu.memref_slice %arg3[%dma_start3A_569, %dma_start3A_570] : memref<100000x64xi8, #tpu.memory_space<hbm>> -> memref<100000x64xi8, #tpu.memory_space<hbm>>
        tpu.enqueue_indirect_dma source(%dma_start3A_571 : memref<100000x64xi8, #tpu.memory_space<hbm>>) target(%dma_start3A_565 : memref<128x64xi8, #tpu.memory_space<vmem>>) offsets(%dma_start3A_568 : memref<128xi32, #tpu.memory_space<vmem>>) semaphore(%arg10 : memref<!tpu.dma_semaphore, #tpu.memory_space<semaphore_mem>>)
        %dma_start3A_572 = arith.constant 1 : i32
        %dma_start3A_573 = arith.constant 128 : i32
        %dma_start3A_574 = arith.constant 0 : i32
        %dma_start3A_575 = tpu.memref_slice %arg7[%dma_start3A_572, %dma_start3A_573, %dma_start3A_574] : memref<4x200x64xi8, #tpu.memory_space<vmem>> -> memref<1x72x64xi8, #tpu.memory_space<vmem>>
        %dma_start3A_576 = tpu.memref_squeeze %dma_start3A_575 : memref<1x72x64xi8, #tpu.memory_space<vmem>> -> memref<72x64xi8, #tpu.memory_space<vmem>>
        %dma_start3A_577 = arith.constant 128 : i32
        %dma_start3A_578 = tpu.memref_slice %arg6[%add3A_324, %dma_start3A_577] : memref<128x200xi32, #tpu.memory_space<vmem>> -> memref<1x72xi32, #tpu.memory_space<vmem>>
        %dma_start3A_579 = tpu.memref_squeeze %dma_start3A_578 : memref<1x72xi32, #tpu.memory_space<vmem>> -> memref<72xi32, #tpu.memory_space<vmem>>
        %dma_start3A_580 = arith.constant 0 : i32
        %dma_start3A_581 = arith.constant 0 : i32
        %dma_start3A_582 = tpu.memref_slice %arg3[%dma_start3A_580, %dma_start3A_581] : memref<100000x64xi8, #tpu.memory_space<hbm>> -> memref<100000x64xi8, #tpu.memory_space<hbm>>
        tpu.enqueue_indirect_dma source(%dma_start3A_582 : memref<100000x64xi8, #tpu.memory_space<hbm>>) target(%dma_start3A_576 : memref<72x64xi8, #tpu.memory_space<vmem>>) offsets(%dma_start3A_579 : memref<72xi32, #tpu.memory_space<vmem>>) semaphore(%arg10 : memref<!tpu.dma_semaphore, #tpu.memory_space<semaphore_mem>>)
      } else {
      }
      %add3A_330 = arith.constant 2 : i32
      %add3A_331 = arith.addi %mul3A_110, %add3A_330 : i32
      %dma_wait3A_332 = arith.constant 2 : i32
      %dma_wait3A_333 = arith.constant 0 : i32
      %dma_wait3A_334 = arith.constant 0 : i32
      %dma_wait3A_335 = tpu.memref_slice %arg7[%dma_wait3A_332, %dma_wait3A_333, %dma_wait3A_334] : memref<4x200x64xi8, #tpu.memory_space<vmem>> -> memref<1x128x64xi8, #tpu.memory_space<vmem>>
      %dma_wait3A_336 = tpu.memref_squeeze %dma_wait3A_335 : memref<1x128x64xi8, #tpu.memory_space<vmem>> -> memref<128x64xi8, #tpu.memory_space<vmem>>
      %dma_wait3A_337 = arith.constant 0 : i32
      %dma_wait3A_338 = tpu.memref_slice %arg6[%add3A_331, %dma_wait3A_337] : memref<128x200xi32, #tpu.memory_space<vmem>> -> memref<1x128xi32, #tpu.memory_space<vmem>>
      %dma_wait3A_339 = tpu.memref_squeeze %dma_wait3A_338 : memref<1x128xi32, #tpu.memory_space<vmem>> -> memref<128xi32, #tpu.memory_space<vmem>>
      %dma_wait3A_340 = arith.constant 0 : i32
      %dma_wait3A_341 = arith.constant 0 : i32
      %dma_wait3A_342 = tpu.memref_slice %arg3[%dma_wait3A_340, %dma_wait3A_341] : memref<100000x64xi8, #tpu.memory_space<hbm>> -> memref<100000x64xi8, #tpu.memory_space<hbm>>
      tpu.wait_indirect_dma semaphore(%arg11 : memref<!tpu.dma_semaphore, #tpu.memory_space<semaphore_mem>>) src(%dma_wait3A_342 : memref<100000x64xi8, #tpu.memory_space<hbm>>) dst(%dma_wait3A_336 : memref<128x64xi8, #tpu.memory_space<vmem>>)
      %dma_wait3A_343 = arith.constant 2 : i32
      %dma_wait3A_344 = arith.constant 128 : i32
      %dma_wait3A_345 = arith.constant 0 : i32
      %dma_wait3A_346 = tpu.memref_slice %arg7[%dma_wait3A_343, %dma_wait3A_344, %dma_wait3A_345] : memref<4x200x64xi8, #tpu.memory_space<vmem>> -> memref<1x72x64xi8, #tpu.memory_space<vmem>>
      %dma_wait3A_347 = tpu.memref_squeeze %dma_wait3A_346 : memref<1x72x64xi8, #tpu.memory_space<vmem>> -> memref<72x64xi8, #tpu.memory_space<vmem>>
      %dma_wait3A_348 = arith.constant 128 : i32
      %dma_wait3A_349 = tpu.memref_slice %arg6[%add3A_331, %dma_wait3A_348] : memref<128x200xi32, #tpu.memory_space<vmem>> -> memref<1x72xi32, #tpu.memory_space<vmem>>
      %dma_wait3A_350 = tpu.memref_squeeze %dma_wait3A_349 : memref<1x72xi32, #tpu.memory_space<vmem>> -> memref<72xi32, #tpu.memory_space<vmem>>
      %dma_wait3A_351 = arith.constant 0 : i32
      %dma_wait3A_352 = arith.constant 0 : i32
      %dma_wait3A_353 = tpu.memref_slice %arg3[%dma_wait3A_351, %dma_wait3A_352] : memref<100000x64xi8, #tpu.memory_space<hbm>> -> memref<100000x64xi8, #tpu.memory_space<hbm>>
      tpu.wait_indirect_dma semaphore(%arg11 : memref<!tpu.dma_semaphore, #tpu.memory_space<semaphore_mem>>) src(%dma_wait3A_353 : memref<100000x64xi8, #tpu.memory_space<hbm>>) dst(%dma_wait3A_347 : memref<72x64xi8, #tpu.memory_space<vmem>>)
      %broadcast_in_dim3A_354 = arith.constant 0 : i32
      %broadcast_in_dim3A_355 = vector.broadcast %broadcast_in_dim3A_354 : i32 to vector<16xi32>
      %scan3A_356 = arith.constant 0 : i32
      %scan3A_357 = arith.constant 25 : i32
      %scan3A_358 = arith.addi %scan3A_356, %scan3A_357 : i32
      %scan3A_359 = arith.constant 1 : i32
      %scan3A_360:8 = scf.for %scan3A_561 = %scan3A_356 to %scan3A_358 step %scan3A_359 iter_args(%scan3A_562 = %broadcast_in_dim3A_355, %scan3A_563 = %broadcast_in_dim3A_355, %scan3A_564 = %broadcast_in_dim3A_355, %scan3A_565 = %broadcast_in_dim3A_355, %scan3A_566 = %broadcast_in_dim3A_355, %scan3A_567 = %broadcast_in_dim3A_355, %scan3A_568 = %broadcast_in_dim3A_355, %scan3A_569 = %broadcast_in_dim3A_355) -> (vector<16xi32>, vector<16xi32>, vector<16xi32>, vector<16xi32>, vector<16xi32>, vector<16xi32>, vector<16xi32>, vector<16xi32>)  : i32 {
        %mul3A_570 = arith.constant 8 : i32
        %mul3A_571 = arith.muli %scan3A_561, %mul3A_570 : i32
        %add3A_572 = arith.constant 0 : i32
        %add3A_573 = arith.addi %mul3A_571, %add3A_572 : i32
        %get3A_574 = arith.constant 2 : i32
        %get3A_575 = arith.index_cast %get3A_574 : i32 to index
        %get3A_576 = arith.index_cast %add3A_573 : i32 to index
        %get3A_577 = arith.constant 0 : index
        %get3A_578 = tpu.vector_load %arg7[%get3A_575, %get3A_576, %get3A_577] {strides = array<i32>} : memref<4x200x64xi8, #tpu.memory_space<vmem>>, vector<64xi8>,
        %bitcast3A = vector.bitcast %get3A_578 : vector<64xi8> to vector<16xi32>
        %add3A_579 = arith.addi %scan3A_562, %bitcast3A : vector<16xi32>
        %mul3A_580 = arith.constant 8 : i32
        %mul3A_581 = arith.muli %scan3A_561, %mul3A_580 : i32
        %add3A_582 = arith.constant 1 : i32
        %add3A_583 = arith.addi %mul3A_581, %add3A_582 : i32
        %get3A_584 = arith.constant 2 : i32
        %get3A_585 = arith.index_cast %get3A_584 : i32 to index
        %get3A_586 = arith.index_cast %add3A_583 : i32 to index
        %get3A_587 = arith.constant 0 : index
        %get3A_588 = tpu.vector_load %arg7[%get3A_585, %get3A_586, %get3A_587] {strides = array<i32>} : memref<4x200x64xi8, #tpu.memory_space<vmem>>, vector<64xi8>,
        %bitcast3A_589 = vector.bitcast %get3A_588 : vector<64xi8> to vector<16xi32>
        %add3A_590 = arith.addi %scan3A_563, %bitcast3A_589 : vector<16xi32>
        %mul3A_591 = arith.constant 8 : i32
        %mul3A_592 = arith.muli %scan3A_561, %mul3A_591 : i32
        %add3A_593 = arith.constant 2 : i32
        %add3A_594 = arith.addi %mul3A_592, %add3A_593 : i32
        %get3A_595 = arith.constant 2 : i32
        %get3A_596 = arith.index_cast %get3A_595 : i32 to index
        %get3A_597 = arith.index_cast %add3A_594 : i32 to index
        %get3A_598 = arith.constant 0 : index
        %get3A_599 = tpu.vector_load %arg7[%get3A_596, %get3A_597, %get3A_598] {strides = array<i32>} : memref<4x200x64xi8, #tpu.memory_space<vmem>>, vector<64xi8>,
        %bitcast3A_600 = vector.bitcast %get3A_599 : vector<64xi8> to vector<16xi32>
        %add3A_601 = arith.addi %scan3A_564, %bitcast3A_600 : vector<16xi32>
        %mul3A_602 = arith.constant 8 : i32
        %mul3A_603 = arith.muli %scan3A_561, %mul3A_602 : i32
        %add3A_604 = arith.constant 3 : i32
        %add3A_605 = arith.addi %mul3A_603, %add3A_604 : i32
        %get3A_606 = arith.constant 2 : i32
        %get3A_607 = arith.index_cast %get3A_606 : i32 to index
        %get3A_608 = arith.index_cast %add3A_605 : i32 to index
        %get3A_609 = arith.constant 0 : index
        %get3A_610 = tpu.vector_load %arg7[%get3A_607, %get3A_608, %get3A_609] {strides = array<i32>} : memref<4x200x64xi8, #tpu.memory_space<vmem>>, vector<64xi8>,
        %bitcast3A_611 = vector.bitcast %get3A_610 : vector<64xi8> to vector<16xi32>
        %add3A_612 = arith.addi %scan3A_565, %bitcast3A_611 : vector<16xi32>
        %mul3A_613 = arith.constant 8 : i32
        %mul3A_614 = arith.muli %scan3A_561, %mul3A_613 : i32
        %add3A_615 = arith.constant 4 : i32
        %add3A_616 = arith.addi %mul3A_614, %add3A_615 : i32
        %get3A_617 = arith.constant 2 : i32
        %get3A_618 = arith.index_cast %get3A_617 : i32 to index
        %get3A_619 = arith.index_cast %add3A_616 : i32 to index
        %get3A_620 = arith.constant 0 : index
        %get3A_621 = tpu.vector_load %arg7[%get3A_618, %get3A_619, %get3A_620] {strides = array<i32>} : memref<4x200x64xi8, #tpu.memory_space<vmem>>, vector<64xi8>,
        %bitcast3A_622 = vector.bitcast %get3A_621 : vector<64xi8> to vector<16xi32>
        %add3A_623 = arith.addi %scan3A_566, %bitcast3A_622 : vector<16xi32>
        %mul3A_624 = arith.constant 8 : i32
        %mul3A_625 = arith.muli %scan3A_561, %mul3A_624 : i32
        %add3A_626 = arith.constant 5 : i32
        %add3A_627 = arith.addi %mul3A_625, %add3A_626 : i32
        %get3A_628 = arith.constant 2 : i32
        %get3A_629 = arith.index_cast %get3A_628 : i32 to index
        %get3A_630 = arith.index_cast %add3A_627 : i32 to index
        %get3A_631 = arith.constant 0 : index
        %get3A_632 = tpu.vector_load %arg7[%get3A_629, %get3A_630, %get3A_631] {strides = array<i32>} : memref<4x200x64xi8, #tpu.memory_space<vmem>>, vector<64xi8>,
        %bitcast3A_633 = vector.bitcast %get3A_632 : vector<64xi8> to vector<16xi32>
        %add3A_634 = arith.addi %scan3A_567, %bitcast3A_633 : vector<16xi32>
        %mul3A_635 = arith.constant 8 : i32
        %mul3A_636 = arith.muli %scan3A_561, %mul3A_635 : i32
        %add3A_637 = arith.constant 6 : i32
        %add3A_638 = arith.addi %mul3A_636, %add3A_637 : i32
        %get3A_639 = arith.constant 2 : i32
        %get3A_640 = arith.index_cast %get3A_639 : i32 to index
        %get3A_641 = arith.index_cast %add3A_638 : i32 to index
        %get3A_642 = arith.constant 0 : index
        %get3A_643 = tpu.vector_load %arg7[%get3A_640, %get3A_641, %get3A_642] {strides = array<i32>} : memref<4x200x64xi8, #tpu.memory_space<vmem>>, vector<64xi8>,
        %bitcast3A_644 = vector.bitcast %get3A_643 : vector<64xi8> to vector<16xi32>
        %add3A_645 = arith.addi %scan3A_568, %bitcast3A_644 : vector<16xi32>
        %mul3A_646 = arith.constant 8 : i32
        %mul3A_647 = arith.muli %scan3A_561, %mul3A_646 : i32
        %add3A_648 = arith.constant 7 : i32
        %add3A_649 = arith.addi %mul3A_647, %add3A_648 : i32
        %get3A_650 = arith.constant 2 : i32
        %get3A_651 = arith.index_cast %get3A_650 : i32 to index
        %get3A_652 = arith.index_cast %add3A_649 : i32 to index
        %get3A_653 = arith.constant 0 : index
        %get3A_654 = tpu.vector_load %arg7[%get3A_651, %get3A_652, %get3A_653] {strides = array<i32>} : memref<4x200x64xi8, #tpu.memory_space<vmem>>, vector<64xi8>,
        %bitcast3A_655 = vector.bitcast %get3A_654 : vector<64xi8> to vector<16xi32>
        %add3A_656 = arith.addi %scan3A_569, %bitcast3A_655 : vector<16xi32>
        scf.yield %add3A_579, %add3A_590, %add3A_601, %add3A_612, %add3A_623, %add3A_634, %add3A_645, %add3A_656 : vector<16xi32>, vector<16xi32>, vector<16xi32>, vector<16xi32>, vector<16xi32>, vector<16xi32>, vector<16xi32>, vector<16xi32>
      }
      %scan3A_361 = arith.constant 25 : i32
      %add3A_362 = arith.addi %scan3A_360#0, %scan3A_360#1 : vector<16xi32>
      %add3A_363 = arith.addi %add3A_362, %scan3A_360#2 : vector<16xi32>
      %add3A_364 = arith.addi %add3A_363, %scan3A_360#3 : vector<16xi32>
      %add3A_365 = arith.addi %add3A_364, %scan3A_360#4 : vector<16xi32>
      %add3A_366 = arith.addi %add3A_365, %scan3A_360#5 : vector<16xi32>
      %add3A_367 = arith.addi %add3A_366, %scan3A_360#6 : vector<16xi32>
      %add3A_368 = arith.addi %add3A_367, %scan3A_360#7 : vector<16xi32>
      %iota3A_369 = tpu.iota {dimensions = array<i32: 0>} : vector<16xi32>
      %mul3A_370 = arith.constant 4 : i32
      %mul3A_371 = vector.broadcast %mul3A_370 : i32 to vector<16xi32>
      %mul3A_372 = arith.muli %mul3A_371, %iota3A_369 : vector<16xi32>
      %broadcast_in_dim3A_373 = vector.broadcast %add3A_331 : i32 to vector<16xi32>
      %shift_right_logical3A_374 = arith.constant 0 : i32
      %shift_right_logical3A_375 = vector.broadcast %shift_right_logical3A_374 : i32 to vector<16xi32>
      %shift_right_logical3A_376 = arith.shrui %add3A_368, %shift_right_logical3A_375 : vector<16xi32>
      %and3A_377 = arith.constant 255 : i32
      %and3A_378 = vector.broadcast %and3A_377 : i32 to vector<16xi32>
      %and3A_379 = arith.andi %shift_right_logical3A_376, %and3A_378 : vector<16xi32>
      %add3A_380 = arith.constant 0 : i32
      %add3A_381 = vector.broadcast %add3A_380 : i32 to vector<16xi32>
      %add3A_382 = arith.addi %mul3A_372, %add3A_381 : vector<16xi32>
      %gt3A_383 = vector.broadcast %squeeze3A : i32 to vector<16xi32>
      %gt3A_384 = arith.cmpi ugt, %and3A_379, %gt3A_383 : vector<16xi32>
      %jit3A_385 = arith.constant 1.000000e+00 : f32
      %jit3A_386 = arith.constant -1.000000e+00 : f32
      %broadcast_in_dim3A_387 = vector.broadcast %jit3A_385 : f32 to vector<16xf32>
      %broadcast_in_dim3A_388 = vector.broadcast %jit3A_386 : f32 to vector<16xf32>
      %select_n3A_389 = arith.select %gt3A_384, %broadcast_in_dim3A_387, %broadcast_in_dim3A_388 : vector<16xi1>, vector<16xf32>
      tpu.vector_store_idx %arg8[%broadcast_in_dim3A_373, %add3A_382], %select_n3A_389 : memref<128x64xf32, #tpu.memory_space<vmem>>[vector<16xi32>, vector<16xi32>], vector<16xf32>,
      %shift_right_logical3A_390 = arith.constant 8 : i32
      %shift_right_logical3A_391 = vector.broadcast %shift_right_logical3A_390 : i32 to vector<16xi32>
      %shift_right_logical3A_392 = arith.shrui %add3A_368, %shift_right_logical3A_391 : vector<16xi32>
      %and3A_393 = arith.constant 255 : i32
      %and3A_394 = vector.broadcast %and3A_393 : i32 to vector<16xi32>
      %and3A_395 = arith.andi %shift_right_logical3A_392, %and3A_394 : vector<16xi32>
      %add3A_396 = arith.constant 1 : i32
      %add3A_397 = vector.broadcast %add3A_396 : i32 to vector<16xi32>
      %add3A_398 = arith.addi %mul3A_372, %add3A_397 : vector<16xi32>
      %gt3A_399 = vector.broadcast %squeeze3A : i32 to vector<16xi32>
      %gt3A_400 = arith.cmpi ugt, %and3A_395, %gt3A_399 : vector<16xi32>
      %jit3A_401 = arith.constant 1.000000e+00 : f32
      %jit3A_402 = arith.constant -1.000000e+00 : f32
      %broadcast_in_dim3A_403 = vector.broadcast %jit3A_401 : f32 to vector<16xf32>
      %broadcast_in_dim3A_404 = vector.broadcast %jit3A_402 : f32 to vector<16xf32>
      %select_n3A_405 = arith.select %gt3A_400, %broadcast_in_dim3A_403, %broadcast_in_dim3A_404 : vector<16xi1>, vector<16xf32>
      tpu.vector_store_idx %arg8[%broadcast_in_dim3A_373, %add3A_398], %select_n3A_405 : memref<128x64xf32, #tpu.memory_space<vmem>>[vector<16xi32>, vector<16xi32>], vector<16xf32>,
      %shift_right_logical3A_406 = arith.constant 16 : i32
      %shift_right_logical3A_407 = vector.broadcast %shift_right_logical3A_406 : i32 to vector<16xi32>
      %shift_right_logical3A_408 = arith.shrui %add3A_368, %shift_right_logical3A_407 : vector<16xi32>
      %and3A_409 = arith.constant 255 : i32
      %and3A_410 = vector.broadcast %and3A_409 : i32 to vector<16xi32>
      %and3A_411 = arith.andi %shift_right_logical3A_408, %and3A_410 : vector<16xi32>
      %add3A_412 = arith.constant 2 : i32
      %add3A_413 = vector.broadcast %add3A_412 : i32 to vector<16xi32>
      %add3A_414 = arith.addi %mul3A_372, %add3A_413 : vector<16xi32>
      %gt3A_415 = vector.broadcast %squeeze3A : i32 to vector<16xi32>
      %gt3A_416 = arith.cmpi ugt, %and3A_411, %gt3A_415 : vector<16xi32>
      %jit3A_417 = arith.constant 1.000000e+00 : f32
      %jit3A_418 = arith.constant -1.000000e+00 : f32
      %broadcast_in_dim3A_419 = vector.broadcast %jit3A_417 : f32 to vector<16xf32>
      %broadcast_in_dim3A_420 = vector.broadcast %jit3A_418 : f32 to vector<16xf32>
      %select_n3A_421 = arith.select %gt3A_416, %broadcast_in_dim3A_419, %broadcast_in_dim3A_420 : vector<16xi1>, vector<16xf32>
      tpu.vector_store_idx %arg8[%broadcast_in_dim3A_373, %add3A_414], %select_n3A_421 : memref<128x64xf32, #tpu.memory_space<vmem>>[vector<16xi32>, vector<16xi32>], vector<16xf32>,
      %shift_right_logical3A_422 = arith.constant 24 : i32
      %shift_right_logical3A_423 = vector.broadcast %shift_right_logical3A_422 : i32 to vector<16xi32>
      %shift_right_logical3A_424 = arith.shrui %add3A_368, %shift_right_logical3A_423 : vector<16xi32>
      %and3A_425 = arith.constant 255 : i32
      %and3A_426 = vector.broadcast %and3A_425 : i32 to vector<16xi32>
      %and3A_427 = arith.andi %shift_right_logical3A_424, %and3A_426 : vector<16xi32>
      %add3A_428 = arith.constant 3 : i32
      %add3A_429 = vector.broadcast %add3A_428 : i32 to vector<16xi32>
      %add3A_430 = arith.addi %mul3A_372, %add3A_429 : vector<16xi32>
      %gt3A_431 = vector.broadcast %squeeze3A : i32 to vector<16xi32>
      %gt3A_432 = arith.cmpi ugt, %and3A_427, %gt3A_431 : vector<16xi32>
      %jit3A_433 = arith.constant 1.000000e+00 : f32
      %jit3A_434 = arith.constant -1.000000e+00 : f32
      %broadcast_in_dim3A_435 = vector.broadcast %jit3A_433 : f32 to vector<16xf32>
      %broadcast_in_dim3A_436 = vector.broadcast %jit3A_434 : f32 to vector<16xf32>
      %select_n3A_437 = arith.select %gt3A_432, %broadcast_in_dim3A_435, %broadcast_in_dim3A_436 : vector<16xi1>, vector<16xf32>
      tpu.vector_store_idx %arg8[%broadcast_in_dim3A_373, %add3A_430], %select_n3A_437 : memref<128x64xf32, #tpu.memory_space<vmem>>[vector<16xi32>, vector<16xi32>], vector<16xf32>,
      %add3A_438 = arith.constant 4 : i32
      %add3A_439 = arith.addi %add3A_331, %add3A_438 : i32
      %lt3A_440 = arith.constant 128 : i32
      %lt3A_441 = arith.cmpi slt, %add3A_439, %lt3A_440 : i32
      %convert_element_type3A_442 = arith.extui %lt3A_441 : i1 to i32
      %cond3A_443 = arith.constant 0 : i32
      %cond3A_444 = arith.cmpi ne, %convert_element_type3A_442, %cond3A_443 : i32
      scf.if %cond3A_444 {
        %dma_start3A_561 = arith.constant 2 : i32
        %dma_start3A_562 = arith.constant 0 : i32
        %dma_start3A_563 = arith.constant 0 : i32
        %dma_start3A_564 = tpu.memref_slice %arg7[%dma_start3A_561, %dma_start3A_562, %dma_start3A_563] : memref<4x200x64xi8, #tpu.memory_space<vmem>> -> memref<1x128x64xi8, #tpu.memory_space<vmem>>
        %dma_start3A_565 = tpu.memref_squeeze %dma_start3A_564 : memref<1x128x64xi8, #tpu.memory_space<vmem>> -> memref<128x64xi8, #tpu.memory_space<vmem>>
        %dma_start3A_566 = arith.constant 0 : i32
        %dma_start3A_567 = tpu.memref_slice %arg6[%add3A_439, %dma_start3A_566] : memref<128x200xi32, #tpu.memory_space<vmem>> -> memref<1x128xi32, #tpu.memory_space<vmem>>
        %dma_start3A_568 = tpu.memref_squeeze %dma_start3A_567 : memref<1x128xi32, #tpu.memory_space<vmem>> -> memref<128xi32, #tpu.memory_space<vmem>>
        %dma_start3A_569 = arith.constant 0 : i32
        %dma_start3A_570 = arith.constant 0 : i32
        %dma_start3A_571 = tpu.memref_slice %arg3[%dma_start3A_569, %dma_start3A_570] : memref<100000x64xi8, #tpu.memory_space<hbm>> -> memref<100000x64xi8, #tpu.memory_space<hbm>>
        tpu.enqueue_indirect_dma source(%dma_start3A_571 : memref<100000x64xi8, #tpu.memory_space<hbm>>) target(%dma_start3A_565 : memref<128x64xi8, #tpu.memory_space<vmem>>) offsets(%dma_start3A_568 : memref<128xi32, #tpu.memory_space<vmem>>) semaphore(%arg11 : memref<!tpu.dma_semaphore, #tpu.memory_space<semaphore_mem>>)
        %dma_start3A_572 = arith.constant 2 : i32
        %dma_start3A_573 = arith.constant 128 : i32
        %dma_start3A_574 = arith.constant 0 : i32
        %dma_start3A_575 = tpu.memref_slice %arg7[%dma_start3A_572, %dma_start3A_573, %dma_start3A_574] : memref<4x200x64xi8, #tpu.memory_space<vmem>> -> memref<1x72x64xi8, #tpu.memory_space<vmem>>
        %dma_start3A_576 = tpu.memref_squeeze %dma_start3A_575 : memref<1x72x64xi8, #tpu.memory_space<vmem>> -> memref<72x64xi8, #tpu.memory_space<vmem>>
        %dma_start3A_577 = arith.constant 128 : i32
        %dma_start3A_578 = tpu.memref_slice %arg6[%add3A_439, %dma_start3A_577] : memref<128x200xi32, #tpu.memory_space<vmem>> -> memref<1x72xi32, #tpu.memory_space<vmem>>
        %dma_start3A_579 = tpu.memref_squeeze %dma_start3A_578 : memref<1x72xi32, #tpu.memory_space<vmem>> -> memref<72xi32, #tpu.memory_space<vmem>>
        %dma_start3A_580 = arith.constant 0 : i32
        %dma_start3A_581 = arith.constant 0 : i32
        %dma_start3A_582 = tpu.memref_slice %arg3[%dma_start3A_580, %dma_start3A_581] : memref<100000x64xi8, #tpu.memory_space<hbm>> -> memref<100000x64xi8, #tpu.memory_space<hbm>>
        tpu.enqueue_indirect_dma source(%dma_start3A_582 : memref<100000x64xi8, #tpu.memory_space<hbm>>) target(%dma_start3A_576 : memref<72x64xi8, #tpu.memory_space<vmem>>) offsets(%dma_start3A_579 : memref<72xi32, #tpu.memory_space<vmem>>) semaphore(%arg11 : memref<!tpu.dma_semaphore, #tpu.memory_space<semaphore_mem>>)
      } else {
      }
      %add3A_445 = arith.constant 3 : i32
      %add3A_446 = arith.addi %mul3A_110, %add3A_445 : i32
      %dma_wait3A_447 = arith.constant 3 : i32
      %dma_wait3A_448 = arith.constant 0 : i32
      %dma_wait3A_449 = arith.constant 0 : i32
      %dma_wait3A_450 = tpu.memref_slice %arg7[%dma_wait3A_447, %dma_wait3A_448, %dma_wait3A_449] : memref<4x200x64xi8, #tpu.memory_space<vmem>> -> memref<1x128x64xi8, #tpu.memory_space<vmem>>
      %dma_wait3A_451 = tpu.memref_squeeze %dma_wait3A_450 : memref<1x128x64xi8, #tpu.memory_space<vmem>> -> memref<128x64xi8, #tpu.memory_space<vmem>>
      %dma_wait3A_452 = arith.constant 0 : i32
      %dma_wait3A_453 = tpu.memref_slice %arg6[%add3A_446, %dma_wait3A_452] : memref<128x200xi32, #tpu.memory_space<vmem>> -> memref<1x128xi32, #tpu.memory_space<vmem>>
      %dma_wait3A_454 = tpu.memref_squeeze %dma_wait3A_453 : memref<1x128xi32, #tpu.memory_space<vmem>> -> memref<128xi32, #tpu.memory_space<vmem>>
      %dma_wait3A_455 = arith.constant 0 : i32
      %dma_wait3A_456 = arith.constant 0 : i32
      %dma_wait3A_457 = tpu.memref_slice %arg3[%dma_wait3A_455, %dma_wait3A_456] : memref<100000x64xi8, #tpu.memory_space<hbm>> -> memref<100000x64xi8, #tpu.memory_space<hbm>>
      tpu.wait_indirect_dma semaphore(%arg12 : memref<!tpu.dma_semaphore, #tpu.memory_space<semaphore_mem>>) src(%dma_wait3A_457 : memref<100000x64xi8, #tpu.memory_space<hbm>>) dst(%dma_wait3A_451 : memref<128x64xi8, #tpu.memory_space<vmem>>)
      %dma_wait3A_458 = arith.constant 3 : i32
      %dma_wait3A_459 = arith.constant 128 : i32
      %dma_wait3A_460 = arith.constant 0 : i32
      %dma_wait3A_461 = tpu.memref_slice %arg7[%dma_wait3A_458, %dma_wait3A_459, %dma_wait3A_460] : memref<4x200x64xi8, #tpu.memory_space<vmem>> -> memref<1x72x64xi8, #tpu.memory_space<vmem>>
      %dma_wait3A_462 = tpu.memref_squeeze %dma_wait3A_461 : memref<1x72x64xi8, #tpu.memory_space<vmem>> -> memref<72x64xi8, #tpu.memory_space<vmem>>
      %dma_wait3A_463 = arith.constant 128 : i32
      %dma_wait3A_464 = tpu.memref_slice %arg6[%add3A_446, %dma_wait3A_463] : memref<128x200xi32, #tpu.memory_space<vmem>> -> memref<1x72xi32, #tpu.memory_space<vmem>>
      %dma_wait3A_465 = tpu.memref_squeeze %dma_wait3A_464 : memref<1x72xi32, #tpu.memory_space<vmem>> -> memref<72xi32, #tpu.memory_space<vmem>>
      %dma_wait3A_466 = arith.constant 0 : i32
      %dma_wait3A_467 = arith.constant 0 : i32
      %dma_wait3A_468 = tpu.memref_slice %arg3[%dma_wait3A_466, %dma_wait3A_467] : memref<100000x64xi8, #tpu.memory_space<hbm>> -> memref<100000x64xi8, #tpu.memory_space<hbm>>
      tpu.wait_indirect_dma semaphore(%arg12 : memref<!tpu.dma_semaphore, #tpu.memory_space<semaphore_mem>>) src(%dma_wait3A_468 : memref<100000x64xi8, #tpu.memory_space<hbm>>) dst(%dma_wait3A_462 : memref<72x64xi8, #tpu.memory_space<vmem>>)
      %broadcast_in_dim3A_469 = arith.constant 0 : i32
      %broadcast_in_dim3A_470 = vector.broadcast %broadcast_in_dim3A_469 : i32 to vector<16xi32>
      %scan3A_471 = arith.constant 0 : i32
      %scan3A_472 = arith.constant 25 : i32
      %scan3A_473 = arith.addi %scan3A_471, %scan3A_472 : i32
      %scan3A_474 = arith.constant 1 : i32
      %scan3A_475:8 = scf.for %scan3A_561 = %scan3A_471 to %scan3A_473 step %scan3A_474 iter_args(%scan3A_562 = %broadcast_in_dim3A_470, %scan3A_563 = %broadcast_in_dim3A_470, %scan3A_564 = %broadcast_in_dim3A_470, %scan3A_565 = %broadcast_in_dim3A_470, %scan3A_566 = %broadcast_in_dim3A_470, %scan3A_567 = %broadcast_in_dim3A_470, %scan3A_568 = %broadcast_in_dim3A_470, %scan3A_569 = %broadcast_in_dim3A_470) -> (vector<16xi32>, vector<16xi32>, vector<16xi32>, vector<16xi32>, vector<16xi32>, vector<16xi32>, vector<16xi32>, vector<16xi32>)  : i32 {
        %mul3A_570 = arith.constant 8 : i32
        %mul3A_571 = arith.muli %scan3A_561, %mul3A_570 : i32
        %add3A_572 = arith.constant 0 : i32
        %add3A_573 = arith.addi %mul3A_571, %add3A_572 : i32
        %get3A_574 = arith.constant 3 : i32
        %get3A_575 = arith.index_cast %get3A_574 : i32 to index
        %get3A_576 = arith.index_cast %add3A_573 : i32 to index
        %get3A_577 = arith.constant 0 : index
        %get3A_578 = tpu.vector_load %arg7[%get3A_575, %get3A_576, %get3A_577] {strides = array<i32>} : memref<4x200x64xi8, #tpu.memory_space<vmem>>, vector<64xi8>,
        %bitcast3A = vector.bitcast %get3A_578 : vector<64xi8> to vector<16xi32>
        %add3A_579 = arith.addi %scan3A_562, %bitcast3A : vector<16xi32>
        %mul3A_580 = arith.constant 8 : i32
        %mul3A_581 = arith.muli %scan3A_561, %mul3A_580 : i32
        %add3A_582 = arith.constant 1 : i32
        %add3A_583 = arith.addi %mul3A_581, %add3A_582 : i32
        %get3A_584 = arith.constant 3 : i32
        %get3A_585 = arith.index_cast %get3A_584 : i32 to index
        %get3A_586 = arith.index_cast %add3A_583 : i32 to index
        %get3A_587 = arith.constant 0 : index
        %get3A_588 = tpu.vector_load %arg7[%get3A_585, %get3A_586, %get3A_587] {strides = array<i32>} : memref<4x200x64xi8, #tpu.memory_space<vmem>>, vector<64xi8>,
        %bitcast3A_589 = vector.bitcast %get3A_588 : vector<64xi8> to vector<16xi32>
        %add3A_590 = arith.addi %scan3A_563, %bitcast3A_589 : vector<16xi32>
        %mul3A_591 = arith.constant 8 : i32
        %mul3A_592 = arith.muli %scan3A_561, %mul3A_591 : i32
        %add3A_593 = arith.constant 2 : i32
        %add3A_594 = arith.addi %mul3A_592, %add3A_593 : i32
        %get3A_595 = arith.constant 3 : i32
        %get3A_596 = arith.index_cast %get3A_595 : i32 to index
        %get3A_597 = arith.index_cast %add3A_594 : i32 to index
        %get3A_598 = arith.constant 0 : index
        %get3A_599 = tpu.vector_load %arg7[%get3A_596, %get3A_597, %get3A_598] {strides = array<i32>} : memref<4x200x64xi8, #tpu.memory_space<vmem>>, vector<64xi8>,
        %bitcast3A_600 = vector.bitcast %get3A_599 : vector<64xi8> to vector<16xi32>
        %add3A_601 = arith.addi %scan3A_564, %bitcast3A_600 : vector<16xi32>
        %mul3A_602 = arith.constant 8 : i32
        %mul3A_603 = arith.muli %scan3A_561, %mul3A_602 : i32
        %add3A_604 = arith.constant 3 : i32
        %add3A_605 = arith.addi %mul3A_603, %add3A_604 : i32
        %get3A_606 = arith.constant 3 : i32
        %get3A_607 = arith.index_cast %get3A_606 : i32 to index
        %get3A_608 = arith.index_cast %add3A_605 : i32 to index
        %get3A_609 = arith.constant 0 : index
        %get3A_610 = tpu.vector_load %arg7[%get3A_607, %get3A_608, %get3A_609] {strides = array<i32>} : memref<4x200x64xi8, #tpu.memory_space<vmem>>, vector<64xi8>,
        %bitcast3A_611 = vector.bitcast %get3A_610 : vector<64xi8> to vector<16xi32>
        %add3A_612 = arith.addi %scan3A_565, %bitcast3A_611 : vector<16xi32>
        %mul3A_613 = arith.constant 8 : i32
        %mul3A_614 = arith.muli %scan3A_561, %mul3A_613 : i32
        %add3A_615 = arith.constant 4 : i32
        %add3A_616 = arith.addi %mul3A_614, %add3A_615 : i32
        %get3A_617 = arith.constant 3 : i32
        %get3A_618 = arith.index_cast %get3A_617 : i32 to index
        %get3A_619 = arith.index_cast %add3A_616 : i32 to index
        %get3A_620 = arith.constant 0 : index
        %get3A_621 = tpu.vector_load %arg7[%get3A_618, %get3A_619, %get3A_620] {strides = array<i32>} : memref<4x200x64xi8, #tpu.memory_space<vmem>>, vector<64xi8>,
        %bitcast3A_622 = vector.bitcast %get3A_621 : vector<64xi8> to vector<16xi32>
        %add3A_623 = arith.addi %scan3A_566, %bitcast3A_622 : vector<16xi32>
        %mul3A_624 = arith.constant 8 : i32
        %mul3A_625 = arith.muli %scan3A_561, %mul3A_624 : i32
        %add3A_626 = arith.constant 5 : i32
        %add3A_627 = arith.addi %mul3A_625, %add3A_626 : i32
        %get3A_628 = arith.constant 3 : i32
        %get3A_629 = arith.index_cast %get3A_628 : i32 to index
        %get3A_630 = arith.index_cast %add3A_627 : i32 to index
        %get3A_631 = arith.constant 0 : index
        %get3A_632 = tpu.vector_load %arg7[%get3A_629, %get3A_630, %get3A_631] {strides = array<i32>} : memref<4x200x64xi8, #tpu.memory_space<vmem>>, vector<64xi8>,
        %bitcast3A_633 = vector.bitcast %get3A_632 : vector<64xi8> to vector<16xi32>
        %add3A_634 = arith.addi %scan3A_567, %bitcast3A_633 : vector<16xi32>
        %mul3A_635 = arith.constant 8 : i32
        %mul3A_636 = arith.muli %scan3A_561, %mul3A_635 : i32
        %add3A_637 = arith.constant 6 : i32
        %add3A_638 = arith.addi %mul3A_636, %add3A_637 : i32
        %get3A_639 = arith.constant 3 : i32
        %get3A_640 = arith.index_cast %get3A_639 : i32 to index
        %get3A_641 = arith.index_cast %add3A_638 : i32 to index
        %get3A_642 = arith.constant 0 : index
        %get3A_643 = tpu.vector_load %arg7[%get3A_640, %get3A_641, %get3A_642] {strides = array<i32>} : memref<4x200x64xi8, #tpu.memory_space<vmem>>, vector<64xi8>,
        %bitcast3A_644 = vector.bitcast %get3A_643 : vector<64xi8> to vector<16xi32>
        %add3A_645 = arith.addi %scan3A_568, %bitcast3A_644 : vector<16xi32>
        %mul3A_646 = arith.constant 8 : i32
        %mul3A_647 = arith.muli %scan3A_561, %mul3A_646 : i32
        %add3A_648 = arith.constant 7 : i32
        %add3A_649 = arith.addi %mul3A_647, %add3A_648 : i32
        %get3A_650 = arith.constant 3 : i32
        %get3A_651 = arith.index_cast %get3A_650 : i32 to index
        %get3A_652 = arith.index_cast %add3A_649 : i32 to index
        %get3A_653 = arith.constant 0 : index
        %get3A_654 = tpu.vector_load %arg7[%get3A_651, %get3A_652, %get3A_653] {strides = array<i32>} : memref<4x200x64xi8, #tpu.memory_space<vmem>>, vector<64xi8>,
        %bitcast3A_655 = vector.bitcast %get3A_654 : vector<64xi8> to vector<16xi32>
        %add3A_656 = arith.addi %scan3A_569, %bitcast3A_655 : vector<16xi32>
        scf.yield %add3A_579, %add3A_590, %add3A_601, %add3A_612, %add3A_623, %add3A_634, %add3A_645, %add3A_656 : vector<16xi32>, vector<16xi32>, vector<16xi32>, vector<16xi32>, vector<16xi32>, vector<16xi32>, vector<16xi32>, vector<16xi32>
      }
      %scan3A_476 = arith.constant 25 : i32
      %add3A_477 = arith.addi %scan3A_475#0, %scan3A_475#1 : vector<16xi32>
      %add3A_478 = arith.addi %add3A_477, %scan3A_475#2 : vector<16xi32>
      %add3A_479 = arith.addi %add3A_478, %scan3A_475#3 : vector<16xi32>
      %add3A_480 = arith.addi %add3A_479, %scan3A_475#4 : vector<16xi32>
      %add3A_481 = arith.addi %add3A_480, %scan3A_475#5 : vector<16xi32>
      %add3A_482 = arith.addi %add3A_481, %scan3A_475#6 : vector<16xi32>
      %add3A_483 = arith.addi %add3A_482, %scan3A_475#7 : vector<16xi32>
      %iota3A_484 = tpu.iota {dimensions = array<i32: 0>} : vector<16xi32>
      %mul3A_485 = arith.constant 4 : i32
      %mul3A_486 = vector.broadcast %mul3A_485 : i32 to vector<16xi32>
      %mul3A_487 = arith.muli %mul3A_486, %iota3A_484 : vector<16xi32>
      %broadcast_in_dim3A_488 = vector.broadcast %add3A_446 : i32 to vector<16xi32>
      %shift_right_logical3A_489 = arith.constant 0 : i32
      %shift_right_logical3A_490 = vector.broadcast %shift_right_logical3A_489 : i32 to vector<16xi32>
      %shift_right_logical3A_491 = arith.shrui %add3A_483, %shift_right_logical3A_490 : vector<16xi32>
      %and3A_492 = arith.constant 255 : i32
      %and3A_493 = vector.broadcast %and3A_492 : i32 to vector<16xi32>
      %and3A_494 = arith.andi %shift_right_logical3A_491, %and3A_493 : vector<16xi32>
      %add3A_495 = arith.constant 0 : i32
      %add3A_496 = vector.broadcast %add3A_495 : i32 to vector<16xi32>
      %add3A_497 = arith.addi %mul3A_487, %add3A_496 : vector<16xi32>
      %gt3A_498 = vector.broadcast %squeeze3A : i32 to vector<16xi32>
      %gt3A_499 = arith.cmpi ugt, %and3A_494, %gt3A_498 : vector<16xi32>
      %jit3A_500 = arith.constant 1.000000e+00 : f32
      %jit3A_501 = arith.constant -1.000000e+00 : f32
      %broadcast_in_dim3A_502 = vector.broadcast %jit3A_500 : f32 to vector<16xf32>
      %broadcast_in_dim3A_503 = vector.broadcast %jit3A_501 : f32 to vector<16xf32>
      %select_n3A_504 = arith.select %gt3A_499, %broadcast_in_dim3A_502, %broadcast_in_dim3A_503 : vector<16xi1>, vector<16xf32>
      tpu.vector_store_idx %arg8[%broadcast_in_dim3A_488, %add3A_497], %select_n3A_504 : memref<128x64xf32, #tpu.memory_space<vmem>>[vector<16xi32>, vector<16xi32>], vector<16xf32>,
      %shift_right_logical3A_505 = arith.constant 8 : i32
      %shift_right_logical3A_506 = vector.broadcast %shift_right_logical3A_505 : i32 to vector<16xi32>
      %shift_right_logical3A_507 = arith.shrui %add3A_483, %shift_right_logical3A_506 : vector<16xi32>
      %and3A_508 = arith.constant 255 : i32
      %and3A_509 = vector.broadcast %and3A_508 : i32 to vector<16xi32>
      %and3A_510 = arith.andi %shift_right_logical3A_507, %and3A_509 : vector<16xi32>
      %add3A_511 = arith.constant 1 : i32
      %add3A_512 = vector.broadcast %add3A_511 : i32 to vector<16xi32>
      %add3A_513 = arith.addi %mul3A_487, %add3A_512 : vector<16xi32>
      %gt3A_514 = vector.broadcast %squeeze3A : i32 to vector<16xi32>
      %gt3A_515 = arith.cmpi ugt, %and3A_510, %gt3A_514 : vector<16xi32>
      %jit3A_516 = arith.constant 1.000000e+00 : f32
      %jit3A_517 = arith.constant -1.000000e+00 : f32
      %broadcast_in_dim3A_518 = vector.broadcast %jit3A_516 : f32 to vector<16xf32>
      %broadcast_in_dim3A_519 = vector.broadcast %jit3A_517 : f32 to vector<16xf32>
      %select_n3A_520 = arith.select %gt3A_515, %broadcast_in_dim3A_518, %broadcast_in_dim3A_519 : vector<16xi1>, vector<16xf32>
      tpu.vector_store_idx %arg8[%broadcast_in_dim3A_488, %add3A_513], %select_n3A_520 : memref<128x64xf32, #tpu.memory_space<vmem>>[vector<16xi32>, vector<16xi32>], vector<16xf32>,
      %shift_right_logical3A_521 = arith.constant 16 : i32
      %shift_right_logical3A_522 = vector.broadcast %shift_right_logical3A_521 : i32 to vector<16xi32>
      %shift_right_logical3A_523 = arith.shrui %add3A_483, %shift_right_logical3A_522 : vector<16xi32>
      %and3A_524 = arith.constant 255 : i32
      %and3A_525 = vector.broadcast %and3A_524 : i32 to vector<16xi32>
      %and3A_526 = arith.andi %shift_right_logical3A_523, %and3A_525 : vector<16xi32>
      %add3A_527 = arith.constant 2 : i32
      %add3A_528 = vector.broadcast %add3A_527 : i32 to vector<16xi32>
      %add3A_529 = arith.addi %mul3A_487, %add3A_528 : vector<16xi32>
      %gt3A_530 = vector.broadcast %squeeze3A : i32 to vector<16xi32>
      %gt3A_531 = arith.cmpi ugt, %and3A_526, %gt3A_530 : vector<16xi32>
      %jit3A_532 = arith.constant 1.000000e+00 : f32
      %jit3A_533 = arith.constant -1.000000e+00 : f32
      %broadcast_in_dim3A_534 = vector.broadcast %jit3A_532 : f32 to vector<16xf32>
      %broadcast_in_dim3A_535 = vector.broadcast %jit3A_533 : f32 to vector<16xf32>
      %select_n3A_536 = arith.select %gt3A_531, %broadcast_in_dim3A_534, %broadcast_in_dim3A_535 : vector<16xi1>, vector<16xf32>
      tpu.vector_store_idx %arg8[%broadcast_in_dim3A_488, %add3A_529], %select_n3A_536 : memref<128x64xf32, #tpu.memory_space<vmem>>[vector<16xi32>, vector<16xi32>], vector<16xf32>,
      %shift_right_logical3A_537 = arith.constant 24 : i32
      %shift_right_logical3A_538 = vector.broadcast %shift_right_logical3A_537 : i32 to vector<16xi32>
      %shift_right_logical3A_539 = arith.shrui %add3A_483, %shift_right_logical3A_538 : vector<16xi32>
      %and3A_540 = arith.constant 255 : i32
      %and3A_541 = vector.broadcast %and3A_540 : i32 to vector<16xi32>
      %and3A_542 = arith.andi %shift_right_logical3A_539, %and3A_541 : vector<16xi32>
      %add3A_543 = arith.constant 3 : i32
      %add3A_544 = vector.broadcast %add3A_543 : i32 to vector<16xi32>
      %add3A_545 = arith.addi %mul3A_487, %add3A_544 : vector<16xi32>
      %gt3A_546 = vector.broadcast %squeeze3A : i32 to vector<16xi32>
      %gt3A_547 = arith.cmpi ugt, %and3A_542, %gt3A_546 : vector<16xi32>
      %jit3A_548 = arith.constant 1.000000e+00 : f32
      %jit3A_549 = arith.constant -1.000000e+00 : f32
      %broadcast_in_dim3A_550 = vector.broadcast %jit3A_548 : f32 to vector<16xf32>
      %broadcast_in_dim3A_551 = vector.broadcast %jit3A_549 : f32 to vector<16xf32>
      %select_n3A_552 = arith.select %gt3A_547, %broadcast_in_dim3A_550, %broadcast_in_dim3A_551 : vector<16xi1>, vector<16xf32>
      tpu.vector_store_idx %arg8[%broadcast_in_dim3A_488, %add3A_545], %select_n3A_552 : memref<128x64xf32, #tpu.memory_space<vmem>>[vector<16xi32>, vector<16xi32>], vector<16xf32>,
      %add3A_553 = arith.constant 4 : i32
      %add3A_554 = arith.addi %add3A_446, %add3A_553 : i32
      %lt3A_555 = arith.constant 128 : i32
      %lt3A_556 = arith.cmpi slt, %add3A_554, %lt3A_555 : i32
      %convert_element_type3A_557 = arith.extui %lt3A_556 : i1 to i32
      %cond3A_558 = arith.constant 0 : i32
      %cond3A_559 = arith.cmpi ne, %convert_element_type3A_557, %cond3A_558 : i32
      scf.if %cond3A_559 {
        %dma_start3A_561 = arith.constant 3 : i32
        %dma_start3A_562 = arith.constant 0 : i32
        %dma_start3A_563 = arith.constant 0 : i32
        %dma_start3A_564 = tpu.memref_slice %arg7[%dma_start3A_561, %dma_start3A_562, %dma_start3A_563] : memref<4x200x64xi8, #tpu.memory_space<vmem>> -> memref<1x128x64xi8, #tpu.memory_space<vmem>>
        %dma_start3A_565 = tpu.memref_squeeze %dma_start3A_564 : memref<1x128x64xi8, #tpu.memory_space<vmem>> -> memref<128x64xi8, #tpu.memory_space<vmem>>
        %dma_start3A_566 = arith.constant 0 : i32
        %dma_start3A_567 = tpu.memref_slice %arg6[%add3A_554, %dma_start3A_566] : memref<128x200xi32, #tpu.memory_space<vmem>> -> memref<1x128xi32, #tpu.memory_space<vmem>>
        %dma_start3A_568 = tpu.memref_squeeze %dma_start3A_567 : memref<1x128xi32, #tpu.memory_space<vmem>> -> memref<128xi32, #tpu.memory_space<vmem>>
        %dma_start3A_569 = arith.constant 0 : i32
        %dma_start3A_570 = arith.constant 0 : i32
        %dma_start3A_571 = tpu.memref_slice %arg3[%dma_start3A_569, %dma_start3A_570] : memref<100000x64xi8, #tpu.memory_space<hbm>> -> memref<100000x64xi8, #tpu.memory_space<hbm>>
        tpu.enqueue_indirect_dma source(%dma_start3A_571 : memref<100000x64xi8, #tpu.memory_space<hbm>>) target(%dma_start3A_565 : memref<128x64xi8, #tpu.memory_space<vmem>>) offsets(%dma_start3A_568 : memref<128xi32, #tpu.memory_space<vmem>>) semaphore(%arg12 : memref<!tpu.dma_semaphore, #tpu.memory_space<semaphore_mem>>)
        %dma_start3A_572 = arith.constant 3 : i32
        %dma_start3A_573 = arith.constant 128 : i32
        %dma_start3A_574 = arith.constant 0 : i32
        %dma_start3A_575 = tpu.memref_slice %arg7[%dma_start3A_572, %dma_start3A_573, %dma_start3A_574] : memref<4x200x64xi8, #tpu.memory_space<vmem>> -> memref<1x72x64xi8, #tpu.memory_space<vmem>>
        %dma_start3A_576 = tpu.memref_squeeze %dma_start3A_575 : memref<1x72x64xi8, #tpu.memory_space<vmem>> -> memref<72x64xi8, #tpu.memory_space<vmem>>
        %dma_start3A_577 = arith.constant 128 : i32
        %dma_start3A_578 = tpu.memref_slice %arg6[%add3A_554, %dma_start3A_577] : memref<128x200xi32, #tpu.memory_space<vmem>> -> memref<1x72xi32, #tpu.memory_space<vmem>>
        %dma_start3A_579 = tpu.memref_squeeze %dma_start3A_578 : memref<1x72xi32, #tpu.memory_space<vmem>> -> memref<72xi32, #tpu.memory_space<vmem>>
        %dma_start3A_580 = arith.constant 0 : i32
        %dma_start3A_581 = arith.constant 0 : i32
        %dma_start3A_582 = tpu.memref_slice %arg3[%dma_start3A_580, %dma_start3A_581] : memref<100000x64xi8, #tpu.memory_space<hbm>> -> memref<100000x64xi8, #tpu.memory_space<hbm>>
        tpu.enqueue_indirect_dma source(%dma_start3A_582 : memref<100000x64xi8, #tpu.memory_space<hbm>>) target(%dma_start3A_576 : memref<72x64xi8, #tpu.memory_space<vmem>>) offsets(%dma_start3A_579 : memref<72xi32, #tpu.memory_space<vmem>>) semaphore(%arg12 : memref<!tpu.dma_semaphore, #tpu.memory_space<semaphore_mem>>)
      } else {
      }
      %scan3A_560 = arith.constant 0 : i32
      scf.yield %scan3A_560 : i32
    }
    %scan3A_104 = arith.constant 32 : i32
    %mul3A_105 = arith.constant 128 : i32
    %mul3A_106 = arith.muli %add3A, %mul3A_105 : i32
    "tpu.region"() ({
      %run_scoped3A = tpu.sem_alloc : memref<!tpu.dma_semaphore, #tpu.memory_space<semaphore_mem>>
      %dma_start3A_107 = arith.constant 0 : i32
      %dma_start3A_108 = tpu.memref_slice %arg5[%mul3A_106, %dma_start3A_107] : memref<4096x64xf32, #tpu.memory_space<hbm>> -> memref<128x64xf32, #tpu.memory_space<hbm>>
      %dma_start3A_109 = arith.constant 0 : i32
      %dma_start3A_110 = tpu.memref_slice %arg5[%mul3A_106, %dma_start3A_109] : memref<4096x64xf32, #tpu.memory_space<hbm>> -> memref<128x64xf32, #tpu.memory_space<hbm>>
      tpu.enqueue_dma source(%arg8 : memref<128x64xf32, #tpu.memory_space<vmem>>) target(%dma_start3A_110 : memref<128x64xf32, #tpu.memory_space<hbm>>) target_semaphore(%run_scoped3A : memref<!tpu.dma_semaphore, #tpu.memory_space<semaphore_mem>>)
      %dma_wait3A = arith.constant 0 : i32
      %dma_wait3A_111 = tpu.memref_slice %arg5[%mul3A_106, %dma_wait3A] : memref<4096x64xf32, #tpu.memory_space<hbm>> -> memref<128x64xf32, #tpu.memory_space<hbm>>
      %dma_wait3A_112 = arith.constant 0 : i32
      %dma_wait3A_113 = tpu.memref_slice %arg5[%mul3A_106, %dma_wait3A_112] : memref<4096x64xf32, #tpu.memory_space<hbm>> -> memref<128x64xf32, #tpu.memory_space<hbm>>
      tpu.wait_dma2 semaphore(%run_scoped3A : memref<!tpu.dma_semaphore, #tpu.memory_space<semaphore_mem>>) src(%arg8 : memref<128x64xf32, #tpu.memory_space<vmem>>) dst(%dma_wait3A_113 : memref<128x64xf32, #tpu.memory_space<hbm>>)
      tpu.yield
    }) : () -> ()
    return
  }
}

</mosaic_0001>

<sc_bundles>
// kernel: kernel.3.cloned.1.call-start
scs
__scs_entry_jumppad:
0x0: {  	(pc) =	sbr.rel $0x88, $3  }
0x1: {  	(tag) =	ssettag $0x0;
	lr =	simm.s32 $0x1  }
0x2: {  	[smem:$0x3F9F] =	sst lr;
	_ =	strace $0xD0000000  }
0x3: {  	_ = 	snop  }
0x4: {  	_ = 	snop  }
0x5: {  	_ = 	snop  }
0x6: {  	_ = 	snop  }
0x7: {  	_ = 	snop  }
__scs_overlays_trampoline_lowered:
0x8: {  	[smem:$0x3FAE] =	sst s0  }
0x9: {  	[smem:$0x3FAF] =	sst s1  }
0xa: {  	[smem:$0x3FB0] =	sst s2  }
0xb: {  	[smem:$0x3FB1] =	sst s3  }
0xc: {  	[smem:$0x3FB2] =	sst s4  }
0xd: {  	[smem:$0x3FB3] =	sst s5  }
0xe: {  	[smem:$0x3FB4] =	sst s6  }
0xf: {  	[smem:$0x3FB5] =	sst s7  }
0x10: {  	[smem:$0x3FB6] =	sst s8  }
0x11: {  	[smem:$0x3FB7] =	sst s9;
	s0 =	simm.s32 @!p0 $0x0  }
0x12: {  	s1 =	sld [smem:$0x3F9D];
	s0 =	simm.s32 @p0 $0x1  }
0x13: {  	[smem:$0x3FB8] =	sst s0;
	s0 =	simm.s32 @!p1 $0x0  }
0x14: {  	s2 =	sld [smem:$0x3F9C];
	s0 =	simm.s32 @p1 $0x1  }
0x15: {  	[smem:$0x3FB9] =	sst s0;
	s0 =	simm.s32 @!p2 $0x0  }
0x16: {  	s3 =	sld [smem:$0x3FDB];
	s0 =	simm.s32 @p2 $0x1  }
0x17: {  	s4 =	simm.s32 $0x1BF5;
	[smem:$0x3FBB] =	sst s0  }
0x18: {  	s0 =	sld [smem:$0x3F9E];
	_ =	swait.ge [sflag:s4], $0x0  }
0x19: {  	s7 =	sld [smem:$0x3F9F]  }
0x1a: {  	s8 =	sadd.s32 $0xFFFFE003, lr  }
0x1b: {  	s9 =	sadd.s32 $0xFFFFFEF7, lr;
	s5 =	simm.s32 $0xFFFFFFFF;
	p2 =	slt.u32 s8, $0xFFFFF086  }
0x1c: {  	p1 =	slt.u32 s9, $0xF7A;
	s5 =	simm.s32 @!p2 $0x0  }
0x1d: {  	s5 =	simm.s32 @p1 $0x1;
	p0 =	seq.s32 s7, s2  }
0x1e: {  	s7 =	smul.u32 @!p0 $0xF7A, s2;
	p2 =	seq.s32 @!p0 s5, $0x0  }
0x1f: {  	s9 =	smul.u32 $0xF7A, s1;
	s8 =	simm.s32 @!p0 $0x1BF5;
	p2 =	por !p2, p0  }
0x20: {  	[sflag:s8] =	ssyncset.s32 @!p0 $0xFFFFF086;
	s6 =	sadd.s32 @!p0 s3, s7;
	s7 =	simm.s32 @!p0 $0x108  }
0x21: {  	s3 =	sadd.s32 s3, s9;
	s6 =	sadd.s32 @!p0 $0x88, s6;
	s7 =	simm.s32 @p2 $0x1082  }
0x22: {  	[simem:s7], [sflag:s8] =	dma.local @!p0 [hbm:s6], $0xF7A  }
0x23: {  	s9 =	sor.u32 $0xD0000000, s2;
	s6 =	simm.s32 $0x108;
	_ =	swait.ge @!p0 [sflag:s8], $0x0  }
0x24: {  	s3 =	sadd.s32 $0x88, s3;
	s6 =	simm.s32 @!p1 $0x1082;
	[sflag:s4] =	ssyncset.s32 $0xFFFFF086  }
0x25: {  	[simem:s6], [sflag:s4] =	dma.local [hbm:s3], $0xF7A  }
0x26: {  	[smem:$0x3F9F] =	sst s1;
	(tag) =	ssettag s2;
	_ =	strace s9  }
0x27: {  	s1 =	sld [smem:$0x3FAF]  }
0x28: {  	s2 =	sld [smem:$0x3FB0]  }
0x29: {  	s4 =	sld [smem:$0x3FB2]  }
0x2a: {  	p0 =	seq.s32 s5, $0x0;
	s5 =	sld [smem:$0x3FB3]  }
0x2b: {  	s6 =	sld [smem:$0x3FB4]  }
0x2c: {  	s7 =	sld [smem:$0x3FB5]  }
0x2d: {  	s3 =	simm.s32 $0x108;
	s8 =	sld [smem:$0x3FB6]  }
0x2e: {  	s3 =	simm.s32 @!p0 $0x1082;
	s9 =	sld [smem:$0x3FB7]  }
0x2f: {  	lr =	sadd.s32 s0, s3;
	s0 =	sld [smem:$0x3FAE]  }
0x30: {  	s3 =	sld [smem:$0x3FB1]  }
0x31: {  	[smem:$0x3FBA] =	sst s10  }
0x32: {  	s10 =	sld [smem:$0x3FB8];
	_ =	sdelay $0x3  }
0x33: {  	p0 =	seq.s32 s10, $0x1;
	s10 =	sld [smem:$0x3FBA];
	_ =	sdelay $0x3  }
0x34: {  	[smem:$0x3FBA] =	sst s10  }
0x35: {  	s10 =	sld [smem:$0x3FB9];
	_ =	sdelay $0x3  }
0x36: {  	p1 =	seq.s32 s10, $0x1;
	s10 =	sld [smem:$0x3FBA];
	_ =	sdelay $0x3  }
0x37: {  	[smem:$0x3FBA] =	sst s10  }
0x38: {  	s10 =	sld [smem:$0x3FBB]  }
0x39: {  	_ = 	snop;
	(pc) =	sbr.ind lr, $3  }
0x3a: {  	_ = 	snop  }
0x3b: {  	_ = 	snop  }
0x3c: {  	p2 =	seq.s32 s10, $0x1;
	s10 =	sld [smem:$0x3FBA]  }
0x3d: {  	_ =	shalt  }
0x3e: {  	_ =	shalt  }
0x3f: {  	_ =	shalt  }
0x40: {  	_ =	shalt  }
0x41: {  	_ =	shalt  }
0x42: {  	_ =	shalt  }
0x43: {  	_ =	shalt  }
0x44: {  	_ =	shalt  }
0x45: {  	_ =	shalt  }
0x46: {  	_ =	shalt  }
0x47: {  	_ =	shalt  }
0x48: {  	_ =	shalt  }
0x49: {  	_ =	shalt  }
0x4a: {  	_ =	shalt  }
0x4b: {  	_ =	shalt  }
0x4c: {  	_ =	shalt  }
0x4d: {  	_ =	shalt  }
0x4e: {  	_ =	shalt  }
0x4f: {  	_ =	shalt  }
0x50: {  	_ =	shalt  }
0x51: {  	_ =	shalt  }
0x52: {  	_ =	shalt  }
0x53: {  	_ =	shalt  }
0x54: {  	_ =	shalt  }
0x55: {  	_ =	shalt  }
0x56: {  	_ =	shalt  }
0x57: {  	_ =	shalt  }
0x58: {  	_ =	shalt  }
0x59: {  	_ =	shalt  }
0x5a: {  	_ =	shalt  }
0x5b: {  	_ =	shalt  }
0x5c: {  	_ =	shalt  }
0x5d: {  	_ =	shalt  }
0x5e: {  	_ =	shalt  }
0x5f: {  	_ =	shalt  }
0x60: {  	_ =	shalt  }
0x61: {  	_ =	shalt  }
0x62: {  	_ =	shalt  }
0x63: {  	_ =	shalt  }
0x64: {  	_ =	shalt  }
0x65: {  	_ =	shalt  }
0x66: {  	_ =	shalt  }
0x67: {  	_ =	shalt  }
0x68: {  	_ =	shalt  }
0x69: {  	_ =	shalt  }
0x6a: {  	_ =	shalt  }
0x6b: {  	_ =	shalt  }
0x6c: {  	_ =	shalt  }
0x6d: {  	_ =	shalt  }
0x6e: {  	_ =	shalt  }
0x6f: {  	_ =	shalt  }
0x70: {  	_ =	shalt  }
0x71: {  	_ =	shalt  }
0x72: {  	_ =	shalt  }
0x73: {  	_ =	shalt  }
0x74: {  	_ =	shalt  }
0x75: {  	_ =	shalt  }
0x76: {  	_ =	shalt  }
0x77: {  	_ =	shalt  }
0x78: {  	_ =	shalt  }
0x79: {  	_ =	shalt  }
0x7a: {  	_ =	shalt  }
0x7b: {  	_ =	shalt  }
0x7c: {  	_ =	shalt  }
0x7d: {  	_ =	shalt  }
0x7e: {  	_ =	shalt  }
0x7f: {  	_ =	shalt  }
0x80: {  	_ =	shalt  }
0x81: {  	_ =	shalt  }
0x82: {  	_ =	shalt  }
0x83: {  	_ =	shalt  }
0x84: {  	_ =	shalt  }
0x85: {  	_ =	shalt  }
0x86: {  	_ =	shalt  }
0x87: {  	_ =	shalt  }
.Lfunc_end0:
.L_simem_size_0:
called_computation_lowered:
.L_overlay_start_0:
0x88: {  	s2 =	sld [smem:$0x3FD9]  }
0x89: {  	s3 =	sld [smem:$0x3FFE];
	_ =	sdelay $0x1  }
0x8a: {  	s1 =	srdreg.scid  }
0x8b: {  	s0 =	sand.u32 $0x1, s1  }
0x8c: {  	s17 =	sshll.u32 s0, $0xA;
	s2 =	sadd.s32 s3, s2  }
0x8d: {  	s2 =	sadd.s32 s2, s17  }
0x8e: {  	[smem:$0x3FC6] =	sst s2  }
0x8f: {  	_ = 	snop  }
0x90: {  	s2 =	sld [smem:$0x3FD0];
	(tm) =	ssettm $0x1  }
0x91: {  	s18 =	sld [smem:$0x3FFB];
	_ =	sdelay $0x3  }
0x92: {  	_ =	strace s18  }
0x93: {  	s3 =	sld [smem:$0x3FFC];
	_ =	sdelay $0x3  }
0x94: {  	_ =	strace s3  }
0x95: {  	s3 =	sld [smem:$0x3FFD];
	_ =	sdelay $0x3  }
0x96: {  	_ =	strace s3  }
0x97: {  	_ =	strace $0x8FFFFFFF  }
0x98: {  	s19 =	sld [smem:$0x3FDB];
	_ =	sdelay $0x1  }
0x99: {  	s4 =	simm.s32 $_scs_section_size  }
0x9a: {  	s5 =	simm.s32 $_size__tile_overlayer_lowered;
	s6 =	simm.s32 $_tile_overlayer_lowered  }
0x9b: {  	s22 =	simm.s32 $0x1BFF;
	s21 =	sshll.u32 s6, $0x1;
	s3 =	sadd.s32 s4, s19  }
0x9c: {  	s7 =	simm.s32 $0x0;
	s20 =	sshll.u32 s5, $0x1;
	s5 =	sadd.s32 s21, s3  }
0x9d: {  	[timem:s7], [sflag:s22] =	dma.local [hbm:s5], s20  }
0x9e: {  	_ =	swait.ge [sflag:s22], s20  }
0x9f: {  	s4 =	ssub.s32 $0x0, s20;
	[sflag:s22] =	ssyncset.done $0x0  }
0xa0: {  	[sflag:s22] =	ssyncadd.s32 s4;
	_ =	sdelay $0x1  }
0xa1: {  	s23 =	simm.s32 $0x1B8B  }
0xa2: {  	_ =	swait.ge [sflag:s23], $0x1  }
0xa3: {  	[sflag:s23] =	ssyncset.done $0x0  }
0xa4: {  	s25 =	simm.s32 $0x1B8E;
	s24 =	sld [smem:$0x3FFE];
	[sflag:s23] =	ssyncadd.s32 $0xFFFFFFFF  }
0xa5: {  	s26 =	simm.s32 $execute0_lowered;
	[smem:$0x3FD2] =	sst s25  }
0xa6: {  	s5 =	sshll.u32 s26, $0x1;
	_ =	strace $0x80000046;
	[dreg:$0x1] =	wrdreg $0xFFFFFFFF  }
0xa7: {  	s28 =	simm.s32 $_size_execute0_lowered;
	s3 =	sadd.s32 s3, s5;
	[dreg:$0x0] =	wrdreg $0x0  }
0xa8: {  	s5 =	sshll.u32 s28, $0x1;
	[dreg:$0x2] =	wrdreg s3  }
0xa9: {  	[dreg:$0x3] =	wrdreg s5  }
0xaa: {  	[dreg:$0x4] =	wrdreg $0xC0  }
0xab: {  	_ =	task [dreg:s7], $0x5FFFF  }
0xac: {  	[dreg:$0x1] =	wrdreg $0xFFFFFFFF  }
0xad: {  	[dreg:$0x0] =	wrdreg $0x60  }
0xae: {  	[dreg:$0x2] =	wrdreg s24  }
0xaf: {  	[dreg:$0x3] =	wrdreg s2  }
0xb0: {  	[dreg:$0x4] =	wrdreg $0x9  }
0xb1: {  	_ =	task.clear_ibuf [dreg:s7], $0x5FFFF;
	_ =	strace $0x90000046  }
0xb2: {  	s29 =	simm.s32 $0x9;
	_ =	strace $0x80000048  }
0xb3: {  	_ =	swait.ge [sflag:s29], $0x1  }
0xb4: {  	[sflag:s29] =	ssyncadd.s32 $0xFFFFFFFF  }
0xb5: {  	_ =	strace $0x90000048  }
0xb6: {  	_ =	sfence  }
0xb7: {  	s30 =	sld [smem:$0x0];
	_ =	sdelay $0x2  }
0xb8: {  	s31 =	sshll.u32 s1, $0xD;
	s1 =	sshrl.u32 s1, $0x2  }
0xb9: {  	s3 =	sand.u32 $0x4000, s31;
	s1 =	sadd.s32 s1, s30  }
0xba: {  	s0 =	sor.u32 s3, s0;
	s1 =	sshll.u32 s1, $0x11  }
0xbb: {  	s0 =	sor.u32 s1, s0  }
0xbc: {  	s0 =	sadd.s32 $0x8F2B, s0  }
0xbd: {  	[sflag:s0] =	ssyncadd.remote.s32 $0x1  }
0xbe: {  	_ =	sfence.sel $0xFFFF  }
0xbf: {  	[dreg:$0x0] =	wrdreg $0xFFFFFFFF;
	(pc) =	sbr.abs _section_cstart, $3  }
0xc0: {  	[dreg:$0x1] =	wrdreg $0xFFFFFFFF  }
0xc1: {  	_ =	task.clear_ibuf [dreg:s7], $0x2FFFF;
	_ =	strace $0x9FFFFFFF  }
0xc2: {  	(tm) =	ssettm $0x7FFFFFFF  }
0xc3: {  	_ =	shalt  }
tec
execute0_lowered:
.L_overlay_start_1:
0x0: {  	(tag) =	ssettag $0x1  }
0x1: {  	s0 =	srdreg.scid  }
0x2: {  	s1 =	rddreg [dreg:$0x0];
	s2 =	stileid.u32  }
0x3: {  	s6 =	rddreg [dreg:$0x1];
	s9 =	simm.s32 $0x5;
	s10 =	simm.s32 $0x80  }
0x4: {  	s12 =	simm.s32 $0x48;
	s16 =	simm.s32 $0x148;
	s17 =	simm.s32 $0x7880  }
0x5: {  	s18 =	simm.s32 $0x190;
	s19 =	simm.s32 $0x7D00;
	s20 =	simm.s32 $0x210  }
0x6: {  	s21 =	simm.s32 $0x8500;
	s22 =	simm.s32 $0x258;
	s23 =	simm.s32 $0x8980  }
0x7: {  	s24 =	simm.s32 $0x2D8;
	s25 =	simm.s32 $0x9180;
	s28 =	simm.s32 $0x9600  }
0x8: {  	s29 =	simm.s32 $0x2;
	s30 =	simm.s32 $0x3;
	s31 =	simm.s32 $0x4  }
0x9: {  	s0 =	sand.u32 $0x1, s0;
	s3 =	sshll.u32 s2, $0x8;
	s2 =	simm.s32 $0x0  }
0xa: {  	s4 =	sshll.u32 s0, $0x7;
	[smem:$0x7FF] =	sst s2;
	s0 =	ssub.s32 $0x2, s0  }
.Ltmp0:
0xb: {  	s5 =	sor.u32 s4, s3;
	_ =	strace $0x80000047;
	(pc) =	sbr.rel .LBB2_1-.Ltmp0, $4  }
0xc: {  	v0 =	vlaneseq.u32;
	s8 =	sshrl.u32 s0, $0x1;
	s3 =	smul.u32 $0x19, s5;
	s26 =	sshll.u32 s5, $0x3  }
0xd: {  	v0 =	vmul.u32 $0x4, v0;
	s4 =	sadd.s32 $0x4A400, s1;
	s0 =	ssub.s32 s0, s8;
	s6 =	sadd.s32 s6, s26  }
0xe: {  	v1 =	vimm.f32 $-1.000000000e+00;
	s26 =	simm.s32 $0x1;
	s7 =	sadd.s32 s3, s1;
	s3 =	sadd.s32 $0x600, s1  }
0xf: {  	v2 =	vor.u32 $0x1, v0;
	v3 =	vor.u32 $0x2, v0;
	v4 =	vor.u32 $0x3, v0;
	s1 =	simm.s32 $0x0;
	s5 =	sadd.s32 $0x31400, s7;
	s7 =	smax.u32 s0, $0x1  }
.LBB2_12:
0x10: {  	s1 =	sadd.s32 $0x1, s1  }
0x11: {  	p0 =	sne.s32 s1, s7  }
.Ltmp1:
0x12: {  	_ = 	snop;
	(pc) =	sbr.rel @!p0 .LBB2_13-.Ltmp1, $4  }
0x13: {  	[hbm4b:s6+s2] =	stream.linear.scatter [tilespmem:s28], [sflag:$0x5], $0x2000, $0x38;
	[tilespmem:$0xB610] =	vst v63  }
0x14: {  	_ =	swait.ge [sflag:s9], $0x2000  }
0x15: {  	[sflag:s9] =	ssyncset.done $0x0  }
0x16: {  	[sflag:s9] =	ssyncadd.s32 $0xFFFFE000  }
.LBB2_1:
0x17: {  	s0 =	simm.s32 $0xB600  }
0x18: {  	[tilespmem:s0], [sflag:$0x5] =	stream.linear.gather [hbm4b:s4+s2], $0x1, $0x38;
	[tilespmem:$0xB610] =	vst v63  }
0x19: {  	_ =	swait.ge [sflag:s9], $0x1  }
0x1a: {  	[sflag:s9] =	ssyncset.done $0x0  }
0x1b: {  	[sflag:s9] =	ssyncadd.s32 $0xFFFFFFFF  }
0x1c: {  	v5 =	vld.msk [tilespmem:$0xB600 ss:$0x0], $0xffff;
	[tilespmem:s2], [sflag:$0x5] =	stream.linear.gather [hbm4b:s5+s2], $0x6400, $0x38  }
0x1d: {  	_ =	swait.ge [sflag:s9], $0x6400  }
0x1e: {  	[sflag:s9] =	ssyncset.done $0x0  }
0x1f: {  	s13 =	simm.s32 $0x6400;
	[sflag:s9] =	ssyncadd.s32 $0xFFFF9C00  }
0x20: {  	[tilespmem:s13], [sflag:$0x1] =	stream.indirect.gather [hbm4b:s3+s10], $0x10, s2, s10, $0xb8;
	[tilespmem:$0xB610] =	vst v63  }
0x21: {  	s14 =	simm.s32 $0x6C00  }
0x22: {  	[tilespmem:s14], [sflag:$0x1] =	stream.indirect.gather [hbm4b:s3+s12], $0x10, s10, s12, $0xb8;
	[tilespmem:$0xB610] =	vst v63  }
0x23: {  	s15 =	simm.s32 $0xC8;
	s8 =	simm.s32 $0x7080  }
0x24: {  	[tilespmem:s8], [sflag:$0x2] =	stream.indirect.gather [hbm4b:s3+s10], $0x10, s15, s10, $0xb8;
	[tilespmem:$0xB610] =	vst v63  }
0x25: {  	_ = 	snop  }
0x26: {  	[tilespmem:s17], [sflag:$0x2] =	stream.indirect.gather [hbm4b:s3+s12], $0x10, s16, s12, $0xb8;
	[tilespmem:$0xB610] =	vst v63  }
0x27: {  	_ = 	snop  }
0x28: {  	[tilespmem:s19], [sflag:$0x3] =	stream.indirect.gather [hbm4b:s3+s10], $0x10, s18, s10, $0xb8;
	[tilespmem:$0xB610] =	vst v63  }
0x29: {  	_ = 	snop  }
0x2a: {  	[tilespmem:s21], [sflag:$0x3] =	stream.indirect.gather [hbm4b:s3+s12], $0x10, s20, s12, $0xb8;
	[tilespmem:$0xB610] =	vst v63  }
0x2b: {  	_ = 	snop  }
0x2c: {  	[tilespmem:s23], [sflag:$0x4] =	stream.indirect.gather [hbm4b:s3+s10], $0x10, s22, s10, $0xb8;
	[tilespmem:$0xB610] =	vst v63  }
0x2d: {  	s0 =	simm.s32 $0x0  }
0x2e: {  	[tilespmem:s25], [sflag:$0x4] =	stream.indirect.gather [hbm4b:s3+s12], $0x10, s24, s12, $0xb8;
	[tilespmem:$0xB610] =	vst v63  }
.LBB2_2:
0x2f: {  	_ =	swait.ge [sflag:s26], $0x800  }
0x30: {  	[sflag:s26] =	ssyncset.done $0x0  }
0x31: {  	[sflag:s26] =	ssyncadd.s32 $0xFFFFF800  }
0x32: {  	_ =	swait.ge [sflag:s26], $0x480  }
0x33: {  	[sflag:s26] =	ssyncset.done $0x0  }
0x34: {  	s13 =	simm.s32 $0x0;
	[sflag:s26] =	ssyncadd.s32 $0xFFFFFB80  }
0x35: {  	v6 =	vld [tilespmem:s13+$0x6470]  }
0x36: {  	v7 =	vld [tilespmem:s13+$0x6400]  }
0x37: {  	v9 =	vld [tilespmem:s13+$0x6410]  }
0x38: {  	v18 =	vld [tilespmem:s13+$0x6420]  }
0x39: {  	v16 =	vld [tilespmem:s13+$0x6430]  }
0x3a: {  	v8 =	vimm.s32 $0x0;
	v11 =	vimm.s32 $0x0;
	v10 =	vld [tilespmem:s13+$0x6440]  }
0x3b: {  	v12 =	vimm.s32 $0x0;
	v13 =	vld [tilespmem:s13+$0x6450];
	v6 =	vadd.s32 v8, v6;
	v14 =	vadd.s32 v8, v7  }
0x3c: {  	s8 =	simm.s32 $0x80;
	s11 =	simm.s32 $0x400;
	v17 =	vld [tilespmem:s13+$0x6460];
	v15 =	vadd.s32 v8, v9;
	v9 =	vimm.s32 $0x0;
	v7 =	vimm.s32 $0x0  }
.LBB2_3:
0x3d: {  	p0 =	sne.s32 s11, $0x3000;
	v19 =	vld [tilespmem:s8+$0x6470];
	v8 =	vadd.s32 v8, v18  }
0x3e: {  	v20 =	vld [tilespmem:s8+$0x6400];
	v11 =	vadd.s32 v11, v16  }
0x3f: {  	v21 =	vld [tilespmem:s8+$0x6410];
	v12 =	vadd.s32 v12, v10  }
.Ltmp2:
0x40: {  	v18 =	vld [tilespmem:s8+$0x6420];
	v9 =	vadd.s32 v9, v13;
	(pc) =	sbr.rel @p0 .LBB2_3-.Ltmp2, $4  }
0x41: {  	v16 =	vld [tilespmem:s8+$0x6430];
	v7 =	vadd.s32 v7, v17  }
0x42: {  	v10 =	vld [tilespmem:s8+$0x6440];
	v6 =	vadd.s32 v6, v19  }
0x43: {  	v14 =	vadd.s32 v14, v20;
	v13 =	vld [tilespmem:s8+$0x6450]  }
0x44: {  	v15 =	vadd.s32 v15, v21;
	v17 =	vld [tilespmem:s8+$0x6460];
	s8 =	sshra.s32 s11, $0x2;
	s11 =	sadd.s32 $0x200, s11  }
0x45: {  	v19 =	vld [tilespmem:s8+$0x6400]  }
0x46: {  	v20 =	vld [tilespmem:s8+$0x6410]  }
0x47: {  	v21 =	vld [tilespmem:s8+$0x6420]  }
0x48: {  	v22 =	vld [tilespmem:s8+$0x6430]  }
0x49: {  	v23 =	vld [tilespmem:s8+$0x6440]  }
0x4a: {  	v24 =	vld [tilespmem:s8+$0x6450]  }
0x4b: {  	v8 =	vadd.s32 v8, v18;
	v18 =	vld [tilespmem:s8+$0x6460];
	v14 =	vadd.s32 v14, v19;
	v15 =	vadd.s32 v15, v20  }
0x4c: {  	v11 =	vadd.s32 v11, v16;
	v8 =	vadd.s32 v8, v21;
	v14 =	vadd.s32 v14, v15;
	v15 =	vld [tilespmem:s8+$0x6470]  }
0x4d: {  	v10 =	vadd.s32 v12, v10;
	v11 =	vadd.s32 v11, v22;
	v8 =	vadd.s32 v8, v14  }
0x4e: {  	v9 =	vadd.s32 v9, v13;
	v10 =	vadd.s32 v10, v23;
	v8 =	vadd.s32 v11, v8  }
0x4f: {  	v7 =	vadd.s32 v7, v17;
	v9 =	vadd.s32 v9, v24;
	v8 =	vadd.s32 v10, v8  }
0x50: {  	v7 =	vadd.s32 v7, v18;
	v8 =	vadd.s32 v9, v8  }
0x51: {  	s15 =	sshll.u32 s0, $0x8;
	v6 =	vadd.s32 v6, v15;
	v7 =	vadd.s32 v7, v8  }
0x52: {  	v6 =	vadd.s32 v6, v7;
	v7 =	vor.u32 s15, v0  }
0x53: {  	v9 =	vor.u32 s15, v2;
	v8 =	vand.u32 $0xFF, v6  }
0x54: {  	v10 =	vor.u32 s15, v3;
	vm0 =	vgt.u32 v8, v5;
	v8 =	vshrl.u32 v6, $0x8  }
0x55: {  	v12 =	vor.u32 s15, v4;
	v11 =	vshrl.u32 v6, $0x10;
	v8 =	vand.u32 $0xFF, v8  }
0x56: {  	p0 =	seq.s32 s0, $0x1F;
	v13 =	vsel vm0, $0x3F800000, v1;
	vm13 =	vgt.u32 v8, v5;
	v8 =	vand.u32 $0xFF, v11  }
0x57: {  	s8 =	smul.u32 @!p0 $0xC80, s0;
	v6 =	vshrl.u32 v6, $0x18;
	[tilespmem:v7+s28+$0x0] =	vst.idx.msk $0xffff, v13;
	v7 =	vsel vm13, $0x3F800000, v1;
	vm14 =	vgt.u32 v8, v5  }
0x58: {  	vm15 =	vgt.u32 v6, v5;
	[tilespmem:v9+s28+$0x0] =	vst.idx.msk $0xffff, v7;
	v7 =	vsel vm14, $0x3F800000, v1  }
0x59: {  	s8 =	sshra.s32 @!p0 s8, $0x2;
	v6 =	vsel vm15, $0x3F800000, v1;
	[tilespmem:v10+s28+$0x0] =	vst.idx.msk $0xffff, v7  }
0x5a: {  	s13 =	simm.s32 @!p0 $0x80;
	s14 =	simm.s32 @!p0 $0x6400;
	s11 =	sadd.s32 @!p0 $0x320, s8;
	[tilespmem:v12+s28+$0x0] =	vst.idx.msk $0xffff, v6  }
0x5b: {  	[tilespmem:s14], [sflag:$0x1] =	stream.indirect.gather @!p0 [hbm4b:s3+s13], $0x10, s11, s13, $0xb8;
	[tilespmem:$0xB610] =	vst v63  }
0x5c: {  	s11 =	sadd.s32 @!p0 $0x3A0, s8;
	s13 =	simm.s32 @!p0 $0x48;
	s14 =	simm.s32 @!p0 $0x6C00  }
0x5d: {  	[tilespmem:s14], [sflag:$0x1] =	stream.indirect.gather @!p0 [hbm4b:s3+s13], $0x10, s11, s13, $0xb8;
	[tilespmem:$0xB610] =	vst v63  }
0x5e: {  	_ =	swait.ge [sflag:s29], $0x800  }
0x5f: {  	[sflag:s29] =	ssyncset.done $0x0  }
0x60: {  	[sflag:s29] =	ssyncadd.s32 $0xFFFFF800  }
0x61: {  	_ =	swait.ge [sflag:s29], $0x480  }
0x62: {  	[sflag:s29] =	ssyncset.done $0x0  }
0x63: {  	s15 =	simm.s32 $0x0;
	[sflag:s29] =	ssyncadd.s32 $0xFFFFFB80  }
0x64: {  	v6 =	vld [tilespmem:s15+$0x70F0]  }
0x65: {  	v8 =	vld [tilespmem:s15+$0x7080]  }
0x66: {  	v10 =	vld [tilespmem:s15+$0x7090]  }
0x67: {  	v18 =	vld [tilespmem:s15+$0x70A0]  }
0x68: {  	v16 =	vld [tilespmem:s15+$0x70B0]  }
0x69: {  	v14 =	vimm.s32 $0x0;
	v7 =	vimm.s32 $0x0;
	v9 =	vld [tilespmem:s15+$0x70C0]  }
0x6a: {  	v11 =	vimm.s32 $0x0;
	v12 =	vld [tilespmem:s15+$0x70D0];
	v6 =	vadd.s32 v7, v6;
	v13 =	vadd.s32 v7, v8  }
0x6b: {  	s11 =	sshll.u32 s0, $0x2;
	s13 =	simm.s32 $0x80;
	s14 =	simm.s32 $0x400;
	v17 =	vld [tilespmem:s15+$0x70E0];
	v15 =	vadd.s32 v7, v10;
	v10 =	vimm.s32 $0x0;
	v8 =	vimm.s32 $0x0  }
.LBB2_5:
0x6c: {  	p1 =	sne.s32 s14, $0x3000;
	v19 =	vld [tilespmem:s13+$0x70F0];
	v7 =	vadd.s32 v7, v18  }
0x6d: {  	v20 =	vld [tilespmem:s13+$0x7080];
	v11 =	vadd.s32 v11, v16  }
0x6e: {  	v21 =	vld [tilespmem:s13+$0x7090];
	v14 =	vadd.s32 v14, v9  }
.Ltmp3:
0x6f: {  	v18 =	vld [tilespmem:s13+$0x70A0];
	v10 =	vadd.s32 v10, v12;
	(pc) =	sbr.rel @p1 .LBB2_5-.Ltmp3, $4  }
0x70: {  	v16 =	vld [tilespmem:s13+$0x70B0];
	v8 =	vadd.s32 v8, v17  }
0x71: {  	v9 =	vld [tilespmem:s13+$0x70C0];
	v6 =	vadd.s32 v6, v19  }
0x72: {  	v13 =	vadd.s32 v13, v20;
	v12 =	vld [tilespmem:s13+$0x70D0]  }
0x73: {  	v15 =	vadd.s32 v15, v21;
	v17 =	vld [tilespmem:s13+$0x70E0];
	s13 =	sshra.s32 s14, $0x2;
	s14 =	sadd.s32 $0x200, s14  }
0x74: {  	v19 =	vld [tilespmem:s13+$0x7080]  }
0x75: {  	v20 =	vld [tilespmem:s13+$0x7090]  }
0x76: {  	v21 =	vld [tilespmem:s13+$0x70A0]  }
0x77: {  	v22 =	vld [tilespmem:s13+$0x70B0]  }
0x78: {  	v23 =	vld [tilespmem:s13+$0x70C0]  }
0x79: {  	v24 =	vld [tilespmem:s13+$0x70D0]  }
0x7a: {  	v7 =	vadd.s32 v7, v18;
	v18 =	vld [tilespmem:s13+$0x70E0];
	v13 =	vadd.s32 v13, v19;
	v15 =	vadd.s32 v15, v20  }
0x7b: {  	v11 =	vadd.s32 v11, v16;
	v7 =	vadd.s32 v7, v21;
	v13 =	vadd.s32 v13, v15;
	v15 =	vld [tilespmem:s13+$0x70F0]  }
0x7c: {  	v9 =	vadd.s32 v14, v9;
	v11 =	vadd.s32 v11, v22;
	v7 =	vadd.s32 v7, v13  }
0x7d: {  	v10 =	vadd.s32 v10, v12;
	v9 =	vadd.s32 v9, v23;
	v7 =	vadd.s32 v11, v7  }
0x7e: {  	v8 =	vadd.s32 v8, v17;
	v10 =	vadd.s32 v10, v24;
	v7 =	vadd.s32 v9, v7  }
0x7f: {  	s11 =	sshll.u32 s11, $0x6;
	v8 =	vadd.s32 v8, v18;
	v7 =	vadd.s32 v10, v7  }
0x80: {  	s15 =	sor.u32 $0x40, s11;
	v6 =	vadd.s32 v6, v15;
	v7 =	vadd.s32 v8, v7  }
0x81: {  	v6 =	vadd.s32 v6, v7;
	v7 =	vor.u32 s15, v0  }
0x82: {  	v9 =	vor.u32 s15, v2;
	v8 =	vand.u32 $0xFF, v6  }
0x83: {  	v10 =	vor.u32 s15, v3;
	vm0 =	vgt.u32 v8, v5;
	v8 =	vshrl.u32 v6, $0x8  }
0x84: {  	v12 =	vor.u32 s15, v4;
	v11 =	vshrl.u32 v6, $0x10;
	v8 =	vand.u32 $0xFF, v8  }
0x85: {  	v13 =	vsel vm0, $0x3F800000, v1;
	vm13 =	vgt.u32 v8, v5;
	v8 =	vand.u32 $0xFF, v11  }
0x86: {  	v6 =	vshrl.u32 v6, $0x18;
	[tilespmem:v7+s28+$0x0] =	vst.idx.msk $0xffff, v13;
	v7 =	vsel vm13, $0x3F800000, v1;
	vm14 =	vgt.u32 v8, v5  }
0x87: {  	vm15 =	vgt.u32 v6, v5;
	[tilespmem:v9+s28+$0x0] =	vst.idx.msk $0xffff, v7;
	v7 =	vsel vm14, $0x3F800000, v1  }
0x88: {  	v6 =	vsel vm15, $0x3F800000, v1;
	[tilespmem:v10+s28+$0x0] =	vst.idx.msk $0xffff, v7  }
0x89: {  	s14 =	simm.s32 @!p0 $0x80;
	s13 =	sadd.s32 @!p0 $0x3E8, s8;
	s15 =	simm.s32 @!p0 $0x7080;
	[tilespmem:v12+s28+$0x0] =	vst.idx.msk $0xffff, v6  }
0x8a: {  	[tilespmem:s15], [sflag:$0x2] =	stream.indirect.gather @!p0 [hbm4b:s3+s14], $0x10, s13, s14, $0xb8;
	[tilespmem:$0xB610] =	vst v63  }
0x8b: {  	s13 =	sadd.s32 @!p0 $0x468, s8;
	s14 =	simm.s32 @!p0 $0x48;
	s15 =	simm.s32 @!p0 $0x7880  }
0x8c: {  	[tilespmem:s15], [sflag:$0x2] =	stream.indirect.gather @!p0 [hbm4b:s3+s14], $0x10, s13, s14, $0xb8;
	[tilespmem:$0xB610] =	vst v63  }
0x8d: {  	_ =	swait.ge [sflag:s30], $0x800  }
0x8e: {  	[sflag:s30] =	ssyncset.done $0x0  }
0x8f: {  	[sflag:s30] =	ssyncadd.s32 $0xFFFFF800  }
0x90: {  	_ =	swait.ge [sflag:s30], $0x480  }
0x91: {  	[sflag:s30] =	ssyncset.done $0x0  }
0x92: {  	s15 =	simm.s32 $0x0;
	[sflag:s30] =	ssyncadd.s32 $0xFFFFFB80  }
0x93: {  	v6 =	vld [tilespmem:s15+$0x7D70]  }
0x94: {  	v7 =	vld [tilespmem:s15+$0x7D00]  }
0x95: {  	v9 =	vld [tilespmem:s15+$0x7D10]  }
0x96: {  	v18 =	vld [tilespmem:s15+$0x7D20]  }
0x97: {  	v16 =	vld [tilespmem:s15+$0x7D30]  }
0x98: {  	v11 =	vimm.s32 $0x0;
	v8 =	vimm.s32 $0x0;
	v10 =	vld [tilespmem:s15+$0x7D40]  }
0x99: {  	v12 =	vimm.s32 $0x0;
	v13 =	vld [tilespmem:s15+$0x7D50];
	v6 =	vadd.s32 v8, v6;
	v14 =	vadd.s32 v8, v7  }
0x9a: {  	s13 =	simm.s32 $0x80;
	s14 =	simm.s32 $0x400;
	v17 =	vld [tilespmem:s15+$0x7D60];
	v15 =	vadd.s32 v8, v9;
	v9 =	vimm.s32 $0x0;
	v7 =	vimm.s32 $0x0  }
.LBB2_7:
0x9b: {  	p1 =	sne.s32 s14, $0x3000;
	v19 =	vld [tilespmem:s13+$0x7D70];
	v8 =	vadd.s32 v8, v18  }
0x9c: {  	v20 =	vld [tilespmem:s13+$0x7D00];
	v11 =	vadd.s32 v11, v16  }
0x9d: {  	v21 =	vld [tilespmem:s13+$0x7D10];
	v12 =	vadd.s32 v12, v10  }
.Ltmp4:
0x9e: {  	v18 =	vld [tilespmem:s13+$0x7D20];
	v9 =	vadd.s32 v9, v13;
	(pc) =	sbr.rel @p1 .LBB2_7-.Ltmp4, $4  }
0x9f: {  	v16 =	vld [tilespmem:s13+$0x7D30];
	v7 =	vadd.s32 v7, v17  }
0xa0: {  	v10 =	vld [tilespmem:s13+$0x7D40];
	v6 =	vadd.s32 v6, v19  }
0xa1: {  	v14 =	vadd.s32 v14, v20;
	v13 =	vld [tilespmem:s13+$0x7D50]  }
0xa2: {  	v15 =	vadd.s32 v15, v21;
	v17 =	vld [tilespmem:s13+$0x7D60];
	s13 =	sshra.s32 s14, $0x2;
	s14 =	sadd.s32 $0x200, s14  }
0xa3: {  	v19 =	vld [tilespmem:s13+$0x7D00]  }
0xa4: {  	v20 =	vld [tilespmem:s13+$0x7D10]  }
0xa5: {  	v21 =	vld [tilespmem:s13+$0x7D20]  }
0xa6: {  	v22 =	vld [tilespmem:s13+$0x7D30]  }
0xa7: {  	v23 =	vld [tilespmem:s13+$0x7D40]  }
0xa8: {  	v24 =	vld [tilespmem:s13+$0x7D50]  }
0xa9: {  	v8 =	vadd.s32 v8, v18;
	v18 =	vld [tilespmem:s13+$0x7D60];
	v14 =	vadd.s32 v14, v19;
	v15 =	vadd.s32 v15, v20  }
0xaa: {  	v11 =	vadd.s32 v11, v16;
	v8 =	vadd.s32 v8, v21;
	v14 =	vadd.s32 v14, v15;
	v15 =	vld [tilespmem:s13+$0x7D70]  }
0xab: {  	v10 =	vadd.s32 v12, v10;
	v11 =	vadd.s32 v11, v22;
	v8 =	vadd.s32 v8, v14  }
0xac: {  	v9 =	vadd.s32 v9, v13;
	v10 =	vadd.s32 v10, v23;
	v8 =	vadd.s32 v11, v8  }
0xad: {  	v7 =	vadd.s32 v7, v17;
	v9 =	vadd.s32 v9, v24;
	v8 =	vadd.s32 v10, v8  }
0xae: {  	v7 =	vadd.s32 v7, v18;
	v8 =	vadd.s32 v9, v8  }
0xaf: {  	s14 =	sor.u32 $0x80, s11;
	v6 =	vadd.s32 v6, v15;
	v7 =	vadd.s32 v7, v8  }
0xb0: {  	v6 =	vadd.s32 v6, v7;
	v7 =	vor.u32 s14, v0  }
0xb1: {  	v9 =	vor.u32 s14, v2;
	v8 =	vand.u32 $0xFF, v6  }
0xb2: {  	v10 =	vor.u32 s14, v3;
	vm0 =	vgt.u32 v8, v5;
	v8 =	vshrl.u32 v6, $0x8  }
0xb3: {  	v12 =	vor.u32 s14, v4;
	v11 =	vshrl.u32 v6, $0x10;
	v8 =	vand.u32 $0xFF, v8  }
0xb4: {  	v13 =	vsel vm0, $0x3F800000, v1;
	vm13 =	vgt.u32 v8, v5;
	v8 =	vand.u32 $0xFF, v11  }
0xb5: {  	v6 =	vshrl.u32 v6, $0x18;
	[tilespmem:v7+s28+$0x0] =	vst.idx.msk $0xffff, v13;
	v7 =	vsel vm13, $0x3F800000, v1;
	vm14 =	vgt.u32 v8, v5  }
0xb6: {  	vm15 =	vgt.u32 v6, v5;
	[tilespmem:v9+s28+$0x0] =	vst.idx.msk $0xffff, v7;
	v7 =	vsel vm14, $0x3F800000, v1  }
0xb7: {  	v6 =	vsel vm15, $0x3F800000, v1;
	[tilespmem:v10+s28+$0x0] =	vst.idx.msk $0xffff, v7  }
0xb8: {  	s15 =	simm.s32 @!p0 $0x7D00;
	s13 =	sadd.s32 @!p0 $0x4B0, s8;
	s14 =	simm.s32 @!p0 $0x80;
	[tilespmem:v12+s28+$0x0] =	vst.idx.msk $0xffff, v6  }
0xb9: {  	[tilespmem:s15], [sflag:$0x3] =	stream.indirect.gather @!p0 [hbm4b:s3+s14], $0x10, s13, s14, $0xb8;
	[tilespmem:$0xB610] =	vst v63  }
0xba: {  	s8 =	sadd.s32 @!p0 $0x530, s8;
	s13 =	simm.s32 @!p0 $0x48;
	s14 =	simm.s32 @!p0 $0x8500  }
0xbb: {  	[tilespmem:s14], [sflag:$0x3] =	stream.indirect.gather @!p0 [hbm4b:s3+s13], $0x10, s8, s13, $0xb8;
	[tilespmem:$0xB610] =	vst v63  }
0xbc: {  	_ =	swait.ge [sflag:s31], $0x800  }
0xbd: {  	[sflag:s31] =	ssyncset.done $0x0  }
0xbe: {  	[sflag:s31] =	ssyncadd.s32 $0xFFFFF800  }
0xbf: {  	_ =	swait.ge [sflag:s31], $0x480  }
0xc0: {  	[sflag:s31] =	ssyncset.done $0x0  }
0xc1: {  	s15 =	simm.s32 $0x0;
	[sflag:s31] =	ssyncadd.s32 $0xFFFFFB80  }
0xc2: {  	v6 =	vld [tilespmem:s15+$0x89F0]  }
0xc3: {  	v7 =	vld [tilespmem:s15+$0x8980]  }
0xc4: {  	v9 =	vld [tilespmem:s15+$0x8990]  }
0xc5: {  	v18 =	vld [tilespmem:s15+$0x89A0]  }
0xc6: {  	v16 =	vld [tilespmem:s15+$0x89B0]  }
0xc7: {  	v11 =	vimm.s32 $0x0;
	v8 =	vimm.s32 $0x0;
	v10 =	vld [tilespmem:s15+$0x89C0]  }
0xc8: {  	v12 =	vimm.s32 $0x0;
	v13 =	vld [tilespmem:s15+$0x89D0];
	v6 =	vadd.s32 v8, v6;
	v14 =	vadd.s32 v8, v7  }
0xc9: {  	s8 =	simm.s32 $0x80;
	s13 =	simm.s32 $0x400;
	v17 =	vld [tilespmem:s15+$0x89E0];
	v15 =	vadd.s32 v8, v9;
	v9 =	vimm.s32 $0x0;
	v7 =	vimm.s32 $0x0  }
.LBB2_9:
0xca: {  	p1 =	sne.s32 s13, $0x3000;
	v19 =	vld [tilespmem:s8+$0x89F0];
	v8 =	vadd.s32 v8, v18  }
0xcb: {  	v20 =	vld [tilespmem:s8+$0x8980];
	v11 =	vadd.s32 v11, v16  }
0xcc: {  	v21 =	vld [tilespmem:s8+$0x8990];
	v12 =	vadd.s32 v12, v10  }
.Ltmp5:
0xcd: {  	v18 =	vld [tilespmem:s8+$0x89A0];
	v9 =	vadd.s32 v9, v13;
	(pc) =	sbr.rel @p1 .LBB2_9-.Ltmp5, $4  }
0xce: {  	v16 =	vld [tilespmem:s8+$0x89B0];
	v7 =	vadd.s32 v7, v17  }
0xcf: {  	v10 =	vld [tilespmem:s8+$0x89C0];
	v6 =	vadd.s32 v6, v19  }
0xd0: {  	v14 =	vadd.s32 v14, v20;
	v13 =	vld [tilespmem:s8+$0x89D0]  }
0xd1: {  	v15 =	vadd.s32 v15, v21;
	v17 =	vld [tilespmem:s8+$0x89E0];
	s8 =	sshra.s32 s13, $0x2;
	s13 =	sadd.s32 $0x200, s13  }
0xd2: {  	v19 =	vld [tilespmem:s8+$0x8980]  }
0xd3: {  	v20 =	vld [tilespmem:s8+$0x8990]  }
0xd4: {  	v21 =	vld [tilespmem:s8+$0x89A0]  }
0xd5: {  	v22 =	vld [tilespmem:s8+$0x89B0]  }
0xd6: {  	v23 =	vld [tilespmem:s8+$0x89C0]  }
0xd7: {  	v24 =	vld [tilespmem:s8+$0x89D0]  }
0xd8: {  	v8 =	vadd.s32 v8, v18;
	v54 =	vld [tilespmem:s8+$0x89E0];
	v14 =	vadd.s32 v14, v19;
	v15 =	vadd.s32 v15, v20  }
0xd9: {  	v55 =	vld [tilespmem:s8+$0x89F0];
	v11 =	vadd.s32 v11, v16;
	v8 =	vadd.s32 v8, v21;
	v14 =	vadd.s32 v14, v15  }
0xda: {  	v10 =	vadd.s32 v12, v10;
	v11 =	vadd.s32 v11, v22;
	v8 =	vadd.s32 v8, v14  }
0xdb: {  	v9 =	vadd.s32 v9, v13;
	v10 =	vadd.s32 v10, v23;
	v8 =	vadd.s32 v11, v8  }
0xdc: {  	v7 =	vadd.s32 v7, v17;
	v9 =	vadd.s32 v9, v24;
	v8 =	vadd.s32 v10, v8  }
0xdd: {  	v7 =	vadd.s32 v7, v54;
	v8 =	vadd.s32 v9, v8  }
0xde: {  	s15 =	sor.u32 $0xC0, s11;
	v6 =	vadd.s32 v6, v55;
	v7 =	vadd.s32 v7, v8  }
0xdf: {  	v6 =	vadd.s32 v6, v7;
	v7 =	vor.u32 s15, v0  }
0xe0: {  	v57 =	vor.u32 s15, v2;
	v59 =	vor.u32 s15, v3  }
0xe1: {  	v61 =	vor.u32 s15, v4;
	v56 =	vand.u32 $0xFF, v6;
	v58 =	vshrl.u32 v6, $0x8  }
0xe2: {  	v60 =	vshrl.u32 v6, $0x10;
	vm0 =	vgt.u32 v56, v5;
	v8 =	vand.u32 $0xFF, v58  }
.Ltmp6:
0xe3: {  	v63 =	vand.u32 $0xFF, v60;
	v62 =	vsel vm0, $0x3F800000, v1;
	vm13 =	vgt.u32 v8, v5;
	(pc) =	sbr.rel @p0 .LBB2_12-.Ltmp6, $4  }
0xe4: {  	v6 =	vshrl.u32 v6, $0x18;
	vm14 =	vgt.u32 v63, v5;
	[tilespmem:v7+s28+$0x0] =	vst.idx.msk $0xffff, v62;
	v7 =	vsel vm13, $0x3F800000, v1  }
0xe5: {  	vm15 =	vgt.u32 v6, v5;
	[tilespmem:v57+s28+$0x0] =	vst.idx.msk $0xffff, v7;
	v7 =	vsel vm14, $0x3F800000, v1  }
0xe6: {  	v6 =	vsel vm15, $0x3F800000, v1;
	[tilespmem:v59+s28+$0x0] =	vst.idx.msk $0xffff, v7  }
0xe7: {  	[tilespmem:v61+s28+$0x0] =	vst.idx.msk $0xffff, v6  }
0xe8: {  	s8 =	smul.u32 $0xC80, s0;
	_ =	sdelay $0x1  }
.Ltmp7:
0xe9: {  	s8 =	sshra.s32 s8, $0x2;
	(pc) =	sbr.rel .LBB2_2-.Ltmp7, $4  }
0xea: {  	s11 =	sadd.s32 $0x578, s8  }
0xeb: {  	[tilespmem:s23], [sflag:$0x4] =	stream.indirect.gather [hbm4b:s3+s10], $0x10, s11, s10, $0xb8;
	[tilespmem:$0xB610] =	vst v63  }
0xec: {  	s0 =	sadd.s32 $0x1, s0;
	s8 =	sadd.s32 $0x5F8, s8  }
0xed: {  	[tilespmem:s25], [sflag:$0x4] =	stream.indirect.gather [hbm4b:s3+s12], $0x10, s8, s12, $0xb8;
	[tilespmem:$0xB610] =	vst v63  }
.LBB2_13:
0xee: {  	_ =	sfence.sel $0x180000  }
0xef: {  	[bflag:$0x0] =	sbarrier.arrive $0xFFFF  }
0xf0: {  	_ =	strace $0x90000047  }
0xf1: {  	s0 =	stileid.u32;
	[bflag:$0x2] =	sbarrier.arrive $0xFFFF  }
0xf2: {  	p0 =	sne.s32 s0, $0x0;
	s0 =	rddreg [dreg:$0x2]  }
0xf3: {  	s0 =	sadd.s32 @!p0 $0x100000, s0  }
0xf4: {  	[sflag:s0] =	ssyncadd.tile.s32 @!p0 $0x1;
	_ =	shalt  }
.Lfunc_end2:
_tile_overlayer_lowered:
.L_overlay_start_2:
0xf5: {  	(tag) =	ssettag $0x2  }
0xf6: {  	s0 =	rddreg [dreg:$0x0];
	s2 =	stileid.u32  }
0xf7: {  	s1 =	rddreg [dreg:$0x1];
	p0 =	sne.s32 s2, $0x0  }
0xf8: {  	s3 =	rddreg [dreg:$0x2];
	[bflag:$0x3] =	sbarrier.arrive $0xFFFF;
	s2 =	simm.s32 @!p0 $0x1C05  }
0xf9: {  	[timem:s3], [sflag:s2] =	dma.local @!p0 [hbm:s0], s1  }
0xfa: {  	s0 =	simm.s32 @!p0 $0x5  }
0xfb: {  	_ =	swait.ge @!p0 [sflag:s0], s1  }
0xfc: {  	s1 =	ssub.s32 @!p0 $0x0, s1;
	[sflag:s0] =	ssyncset.done @!p0 $0x0  }
0xfd: {  	[sflag:s0] =	ssyncadd.s32 @!p0 s1  }
0xfe: {  	[bflag:$0x3] =	sbarrier.arrive $0xFFFF  }
0xff: {  	_ =	shalt  }

</sc_bundles>
